<compile_context>
chip_gen: v7x
topology: tpu7x:2x2x1
jax: 0.10.2.dev20260603
libtpu: 0.0.44.dev20260713+nightly
codegen_flags: <defaults>
</compile_context>

<pallas_src>
import functools

import jax
import jax.numpy as jnp
from jax import lax
from jax.experimental import pallas as pl
from jax.experimental.pallas import tpu as pltpu
from jax.experimental.pallas import tpu_sc as plsc

_B, _S, _D, _R, _E = 4, 2048, 2048, 64, 8
_TOPK = 2
_SCALING = 16.0 / _R
_S_TILE = 1024
_NEG = -1e30
_LANES = 16


def _lane_sum(v):
    idx = lax.iota(jnp.int32, _LANES)
    for k in (8, 4, 2, 1):
        v = v + v.at[idx ^ k].get(mode="promise_in_bounds")
    return v[0]


def _sc_logits_body(x_hbm, eof_hbm, route_hbm, out_hbm,
                    eof_v, row_v, route_v, lv, sem_r, sem_x):
    c = lax.axis_index("c")
    s = lax.axis_index("s")
    b = c * 2 + s // _E
    e = s % _E

    cp_r = pltpu.async_copy(route_hbm.at[pl.ds(e, 1)], route_v, sem_r)

    pltpu.sync_copy(eof_hbm, eof_v)
    ev = eof_v[...]
    fidx = ev.at[jnp.full((_LANES,), b, jnp.int32)].get(
        mode="promise_in_bounds") + b * _S

    cp_x = pltpu.async_copy(x_hbm.at[fidx], row_v, sem_x)
    cp_r.wait()
    cp_x.wait()

    rowr = row_v.at[0]
    rtr = route_v.at[0]

    def chunk(k, acc):
        o = k * _LANES
        return acc + rowr[pl.ds(o, _LANES)] * rtr[pl.ds(o, _LANES)]

    acc = lax.fori_loop(0, _D // _LANES, chunk,
                        jnp.zeros((_LANES,), jnp.float32), unroll=8)
    logit = _lane_sum(acc)

    lv[0, 0] = jnp.full((_LANES,), logit, jnp.float32)
    pltpu.sync_copy(lv, out_hbm.at[pl.ds(b, 1), pl.ds(e, 1)])


_sc_logits = functools.partial(
    pl.kernel,
    out_type=jax.ShapeDtypeStruct((_B, _E, _LANES), jnp.float32),
    mesh=plsc.VectorSubcoreMesh(core_axis_name="c", subcore_axis_name="s",
                                num_cores=2, num_subcores=16),
    scratch_types=[
        pltpu.VMEM((_LANES,), jnp.int32),
        pltpu.VMEM((_LANES, _D), jnp.float32),
        pltpu.VMEM((1, _D), jnp.float32),
        pltpu.VMEM((1, 1, _LANES), jnp.float32),
        pltpu.SemaphoreType.DMA,
        pltpu.SemaphoreType.DMA,
    ],
)(_sc_logits_body)


def _tc_shared_body(x_ref, a_ref, sh_ref):
    xt = x_ref[0].astype(jnp.bfloat16)
    sh_ref[0] = lax.dot_general(
        xt, a_ref[...], (((1,), (1,)), ((), ())),
        preferred_element_type=jnp.float32).astype(jnp.bfloat16)


def _tc_out_body(lt_ref, sh_ref, bs_ref, o_ref, cb_ref):
    b = pl.program_id(0)
    s = pl.program_id(1)

    @pl.when(s == 0)
    def _routing():
        iota = lax.broadcasted_iota(jnp.int32, (_B, _E, _LANES), 0)
        lrow = jnp.sum(jnp.where(iota == b, lt_ref[...], 0.0),
                       axis=0)
        logits = [lrow[e, 0] for e in range(_E)]
        m1 = logits[0]
        i1 = jnp.int32(0)
        for e in range(1, _E):
            gt = logits[e] > m1
            i1 = jnp.where(gt, jnp.int32(e), i1)
            m1 = jnp.where(gt, logits[e], m1)
        m2 = jnp.float32(_NEG)
        i2 = jnp.int32(0)
        for e in range(_E):
            gt = (logits[e] > m2) & (i1 != e)
            i2 = jnp.where(gt, jnp.int32(e), i2)
            m2 = jnp.where(gt, logits[e], m2)
        e2 = jnp.exp(m2 - m1)
        denom = 1.0 + e2
        g1 = (_SCALING / denom)
        g2 = (_SCALING * e2 / denom)
        cb = jnp.zeros((_D, _R), dtype=jnp.float32)
        for e in range(_E):
            w_e = jnp.where(i1 == e, g1, 0.0) + jnp.where(i2 == e, g2, 0.0)
            cb = cb + w_e * bs_ref[e]
        cb_ref[...] = cb.astype(jnp.bfloat16)

    out = lax.dot_general(
        sh_ref[0], cb_ref[...], (((1,), (1,)), ((), ())),
        preferred_element_type=jnp.float32)
    o_ref[0] = out


@jax.jit
def kernel(x, eof_index, lora_A, lora_route, lora_Bs):
    eof16 = jnp.concatenate(
        [eof_index, jnp.zeros((_LANES - _B,), jnp.int32)])
    grid = (_B, _S // _S_TILE)
    shared = pl.pallas_call(
        _tc_shared_body,
        grid=grid,
        in_specs=[
            pl.BlockSpec((1, _S_TILE, _D), lambda b, s: (b, s, 0)),
            pl.BlockSpec((_R, _D), lambda b, s: (0, 0)),
        ],
        out_specs=pl.BlockSpec((1, _S_TILE, _R), lambda b, s: (b, s, 0)),
        out_shape=jax.ShapeDtypeStruct((_B, _S, _R), jnp.bfloat16),
    )(x, lora_A.astype(jnp.bfloat16))
    logits_tab = _sc_logits(x.reshape(_B * _S, _D), eof16, lora_route)
    return pl.pallas_call(
        _tc_out_body,
        grid=grid,
        in_specs=[
            pl.BlockSpec((_B, _E, _LANES), lambda b, s: (0, 0, 0)),
            pl.BlockSpec((1, _S_TILE, _R), lambda b, s: (b, s, 0)),
            pl.BlockSpec((_E, _D, _R), lambda b, s: (0, 0, 0)),
        ],
        out_specs=pl.BlockSpec((1, _S_TILE, _D), lambda b, s: (b, s, 0)),
        scratch_shapes=[pltpu.VMEM((_D, _R), jnp.bfloat16)],
        out_shape=jax.ShapeDtypeStruct((_B, _S, _D), jnp.float32),
    )(logits_tab, shared, lora_Bs)

# --- scband reference (transcript-rebuilt; emitter-appended) ---
"""Pipeline reference for scband-lo-raadapter-67688684585121 (READ-ONLY COPY).

The authoritative reference and input builder live on the scoring server;
editing this copy changes nothing except your own understanding.
"""

import jax, jax.numpy as jnp
import numpy as np

B, S, D, R, E, TOPK = 4, 2048, 2048, 64, 8, 2
SCALING = 16.0 / R


def setup_inputs(seed: int = 0) -> dict:
    key = jax.random.key(seed)
    k1, k2, k3, k4, k5 = jax.random.split(key, 5)
    x = jax.random.normal(k1, (B, S, D), dtype=jnp.float32)
    eof_index = jax.random.randint(k2, (B,), 0, S, dtype=jnp.int32)
    # learned parameters (torch nn.Linear weight layout: [out, in])
    lora_A = jax.random.normal(k3, (R, D), dtype=jnp.float32) * (1.0 / np.sqrt(D))
    lora_route = jax.random.normal(k4, (E, D), dtype=jnp.float32) * (1.0 / np.sqrt(D))
    lora_Bs = jax.random.normal(k5, (E, D, R), dtype=jnp.float32) * 0.02
    return {"x": x, "eof_index": eof_index, "lora_A": lora_A, "lora_route": lora_route, "lora_Bs": lora_Bs}


def reference(x, eof_index, lora_A, lora_route, lora_Bs):
    # Deterministic (eval-mode) path: dropout is identity, gating uses clean logits.
    # routing input: pick EOF token per sample
    routing_input = x[jnp.arange(B), eof_index]  # [B, D]
    logits = routing_input @ lora_route.T  # [B, E]
    k1 = min(TOPK + 1, E)
    top_logits, top_indices = jax.lax.top_k(logits, k1)
    top_k_logits = top_logits[:, :TOPK]
    top_k_indices = top_indices[:, :TOPK]
    top_k_gates = jax.nn.softmax(top_k_logits.astype(jnp.float32), axis=-1).astype(x.dtype)
    gates = jnp.zeros_like(logits).at[jnp.arange(B)[:, None], top_k_indices].set(top_k_gates)  # [B, E]
    # shared LoRA down-projection
    shared = x @ lora_A.T  # [B, S, R]
    # all experts computed; zero gates contribute zero (matches torch sum over gated experts)
    lora_output = jnp.einsum('bsr,eor,be->bso', shared, lora_Bs, gates)  # [B, S, D]
    return lora_output * SCALING

if __name__ == "__main__":
    import jax
    _d = setup_inputs()
    print(jax.jit(kernel)(*tuple(_d.values())))

</pallas_src>

<mosaic_0001>
#map = affine_map<(d0, d1) -> (0, 0)>
#map1 = affine_map<(d0, d1) -> (0)>
#map2 = affine_map<(d0, d1) -> (0, 0, 0)>
module attributes {stable_mosaic.version = 14 : i64} {
  func.func @_sc_logits_body(%arg0: i32, %arg1: i32, %arg2: memref<8192x2048xf32, #tpu.memory_space<hbm>>, %arg3: memref<16xi32, #tpu.memory_space<hbm>>, %arg4: memref<8x2048xf32, #tpu.memory_space<hbm>>, %arg5: memref<4x8x16xf32, #tpu.memory_space<hbm>>, %arg6: memref<16xi32, #tpu.memory_space<vmem>>, %arg7: memref<16x2048xf32, #tpu.memory_space<vmem>>, %arg8: memref<1x2048xf32, #tpu.memory_space<vmem>>, %arg9: memref<1x1x16xf32, #tpu.memory_space<vmem>>, %arg10: memref<!tpu.dma_semaphore, #tpu.memory_space<semaphore_mem>>, %arg11: memref<!tpu.dma_semaphore, #tpu.memory_space<semaphore_mem>>) attributes {dimension_semantics = [#tpu.dimension_semantics<core_parallel>, #tpu.dimension_semantics<subcore_parallel>], iteration_bounds = array<i64: 2, 16>, scalar_prefetch = 0 : i64, scratch_operands = 6 : i64, tpu.core_type = #tpu.core_type<sc_vector_subcore>, window_params = [{transform_indices = #map}, {transform_indices = #map1}, {transform_indices = #map}, {transform_indices = #map2}]} {
    %mul3A = arith.constant 2 : i32
    %mul3A_0 = arith.muli %arg0, %mul3A : i32
    %jit3A = arith.constant 8 : i32
    %div3A = arith.divsi %arg1, %jit3A : i32
    %sign3A = arith.constant 0 : i32
    %sign3A_1 = arith.cmpi sgt, %arg1, %sign3A : i32
    %sign3A_2 = arith.extui %sign3A_1 : i1 to i32
    %sign3A_3 = arith.constant 0 : i32
    %sign3A_4 = arith.cmpi slt, %arg1, %sign3A_3 : i32
    %sign3A_5 = arith.extui %sign3A_4 : i1 to i32
    %sign3A_6 = arith.subi %sign3A_2, %sign3A_5 : i32
    %sign3A_7 = arith.constant 0 : i32
    %sign3A_8 = arith.cmpi sgt, %jit3A, %sign3A_7 : i32
    %sign3A_9 = arith.extui %sign3A_8 : i1 to i32
    %sign3A_10 = arith.constant 0 : i32
    %sign3A_11 = arith.cmpi slt, %jit3A, %sign3A_10 : i32
    %sign3A_12 = arith.extui %sign3A_11 : i1 to i32
    %sign3A_13 = arith.subi %sign3A_9, %sign3A_12 : i32
    %ne3A = arith.cmpi ne, %sign3A_6, %sign3A_13 : i32
    %rem3A = arith.remsi %arg1, %jit3A : i32
    %ne3A_14 = arith.constant 0 : i32
    %ne3A_15 = arith.cmpi ne, %rem3A, %ne3A_14 : i32
    %and3A = arith.andi %ne3A, %ne3A_15 : i1
    %sub3A = arith.constant 1 : i32
    %sub3A_16 = arith.subi %div3A, %sub3A : i32
    %select_n3A = arith.select %and3A, %sub3A_16, %div3A : i32
    %add3A = arith.addi %mul3A_0, %select_n3A : i32
    %jit3A_17 = arith.constant 8 : i32
    %eq3A = arith.constant 0 : i32
    %eq3A_18 = arith.cmpi eq, %jit3A_17, %eq3A : i32
    %jit3A_19 = arith.constant 1 : i32
    %select_n3A_20 = arith.select %eq3A_18, %jit3A_19, %jit3A_17 : i32
    %rem3A_21 = arith.remsi %arg1, %select_n3A_20 : i32
    %ne3A_22 = arith.constant 0 : i32
    %ne3A_23 = arith.cmpi ne, %rem3A_21, %ne3A_22 : i32
    %lt3A = arith.constant 0 : i32
    %lt3A_24 = arith.cmpi slt, %rem3A_21, %lt3A : i32
    %lt3A_25 = arith.constant 0 : i32
    %lt3A_26 = arith.cmpi slt, %select_n3A_20, %lt3A_25 : i32
    %ne3A_27 = arith.xori %lt3A_24, %lt3A_26 : i1
    %and3A_28 = arith.andi %ne3A_27, %ne3A_23 : i1
    %add3A_29 = arith.addi %rem3A_21, %select_n3A_20 : i32
    %select_n3A_30 = arith.select %and3A_28, %add3A_29, %rem3A_21 : i32
    %dma_start3A = arith.constant 0 : i32
    %dma_start3A_31 = tpu.memref_slice %arg4[%select_n3A_30, %dma_start3A] : memref<8x2048xf32, #tpu.memory_space<hbm>> -> memref<1x2048xf32, #tpu.memory_space<hbm>>
    %dma_start3A_32 = arith.constant 0 : i32
    %dma_start3A_33 = tpu.memref_slice %arg4[%select_n3A_30, %dma_start3A_32] : memref<8x2048xf32, #tpu.memory_space<hbm>> -> memref<1x2048xf32, #tpu.memory_space<hbm>>
    tpu.enqueue_dma source(%dma_start3A_33 : memref<1x2048xf32, #tpu.memory_space<hbm>>) target(%arg8 : memref<1x2048xf32, #tpu.memory_space<vmem>>) target_semaphore(%arg10 : memref<!tpu.dma_semaphore, #tpu.memory_space<semaphore_mem>>)
    "tpu.region"() ({
      %run_scoped3A = tpu.sem_alloc : memref<!tpu.dma_semaphore, #tpu.memory_space<semaphore_mem>>
      tpu.enqueue_dma source(%arg3 : memref<16xi32, #tpu.memory_space<hbm>>) target(%arg6 : memref<16xi32, #tpu.memory_space<vmem>>) target_semaphore(%run_scoped3A : memref<!tpu.dma_semaphore, #tpu.memory_space<semaphore_mem>>)
      tpu.wait_dma2 semaphore(%run_scoped3A : memref<!tpu.dma_semaphore, #tpu.memory_space<semaphore_mem>>) src(%arg3 : memref<16xi32, #tpu.memory_space<hbm>>) dst(%arg6 : memref<16xi32, #tpu.memory_space<vmem>>)
      tpu.yield
    }) : () -> ()
    %get3A = arith.constant 0 : index
    %get3A_34 = tpu.vector_load %arg6[%get3A] {strides = array<i32>} : memref<16xi32, #tpu.memory_space<vmem>>, vector<16xi32>,
    %get3A_35 = vector.shape_cast %get3A_34 : vector<16xi32> to vector<16xi32>
    %broadcast_in_dim3A = vector.broadcast %add3A : i32 to vector<16xi32>
    %lt3A_36 = arith.constant 0 : i32
    %lt3A_37 = vector.broadcast %lt3A_36 : i32 to vector<16xi32>
    %lt3A_38 = arith.cmpi slt, %broadcast_in_dim3A, %lt3A_37 : vector<16xi32>
    %add3A_39 = arith.constant 16 : i32
    %add3A_40 = vector.broadcast %add3A_39 : i32 to vector<16xi32>
    %add3A_41 = arith.addi %broadcast_in_dim3A, %add3A_40 : vector<16xi32>
    %select_n3A_42 = arith.select %lt3A_38, %add3A_41, %broadcast_in_dim3A : vector<16xi1>, vector<16xi32>
    %broadcast_in_dim3A_43 = vector.shape_cast %select_n3A_42 : vector<16xi32> to vector<16x1xi32>
    %gather3A = vector.shape_cast %broadcast_in_dim3A_43 : vector<16x1xi32> to vector<16xi32>
    %gather3A_44 = tpu.dynamic_gather %get3A_35[%gather3A] in [0] : vector<16xi32>, vector<16xi32> -> vector<16xi32>
    %mul3A_45 = arith.constant 2048 : i32
    %mul3A_46 = arith.muli %add3A, %mul3A_45 : i32
    %add3A_47 = vector.broadcast %mul3A_46 : i32 to vector<16xi32>
    %add3A_48 = arith.addi %gather3A_44, %add3A_47 : vector<16xi32>
    %dma_start3A_49 = arith.constant 0 : i32
    %dma_start3A_50 = arith.constant 0 : i32
    %dma_start3A_51 = tpu.memref_slice %arg2[%dma_start3A_49, %dma_start3A_50] : memref<8192x2048xf32, #tpu.memory_space<hbm>> -> memref<8192x2048xf32, #tpu.memory_space<hbm>>
    tpu.enqueue_indirect_dma source(%dma_start3A_51 : memref<8192x2048xf32, #tpu.memory_space<hbm>>) target(%arg7 : memref<16x2048xf32, #tpu.memory_space<vmem>>) offsets(%add3A_48 : vector<16xi32>) semaphore(%arg11 : memref<!tpu.dma_semaphore, #tpu.memory_space<semaphore_mem>>)
    %dma_wait3A = arith.constant 0 : i32
    %dma_wait3A_52 = tpu.memref_slice %arg4[%select_n3A_30, %dma_wait3A] : memref<8x2048xf32, #tpu.memory_space<hbm>> -> memref<1x2048xf32, #tpu.memory_space<hbm>>
    %dma_wait3A_53 = arith.constant 0 : i32
    %dma_wait3A_54 = tpu.memref_slice %arg4[%select_n3A_30, %dma_wait3A_53] : memref<8x2048xf32, #tpu.memory_space<hbm>> -> memref<1x2048xf32, #tpu.memory_space<hbm>>
    tpu.wait_dma2 semaphore(%arg10 : memref<!tpu.dma_semaphore, #tpu.memory_space<semaphore_mem>>) src(%dma_wait3A_54 : memref<1x2048xf32, #tpu.memory_space<hbm>>) dst(%arg8 : memref<1x2048xf32, #tpu.memory_space<vmem>>)
    %dma_wait3A_55 = arith.constant 0 : i32
    %dma_wait3A_56 = arith.constant 0 : i32
    %dma_wait3A_57 = tpu.memref_slice %arg2[%dma_wait3A_55, %dma_wait3A_56] : memref<8192x2048xf32, #tpu.memory_space<hbm>> -> memref<8192x2048xf32, #tpu.memory_space<hbm>>
    tpu.wait_indirect_dma semaphore(%arg11 : memref<!tpu.dma_semaphore, #tpu.memory_space<semaphore_mem>>) src(%dma_wait3A_57 : memref<8192x2048xf32, #tpu.memory_space<hbm>>) dst(%arg7 : memref<16x2048xf32, #tpu.memory_space<vmem>>)
    %broadcast_in_dim3A_58 = arith.constant 0.000000e+00 : f32
    %broadcast_in_dim3A_59 = vector.broadcast %broadcast_in_dim3A_58 : f32 to vector<16xf32>
    %scan3A = arith.constant 0 : i32
    %scan3A_60 = arith.constant 0 : i32
    %scan3A_61 = arith.constant 0 : i32
    %scan3A_62 = arith.constant 128 : i32
    %scan3A_63 = arith.addi %scan3A_61, %scan3A_62 : i32
    %scan3A_64 = arith.constant 8 : i32
    %scan3A_65 = scf.for %scan3A_130 = %scan3A_61 to %scan3A_63 step %scan3A_64 iter_args(%scan3A_131 = %broadcast_in_dim3A_59) -> (vector<16xf32>)  : i32 {
      %mul3A_132 = arith.constant 16 : i32
      %mul3A_133 = arith.muli %scan3A_130, %mul3A_132 : i32
      %get3A_134 = arith.constant 0 : i32
      %get3A_135 = tpu.memref_slice %arg7[%scan3A, %get3A_134] : memref<16x2048xf32, #tpu.memory_space<vmem>> -> memref<1x2048xf32, #tpu.memory_space<vmem>>
      %get3A_136 = tpu.memref_squeeze %get3A_135 : memref<1x2048xf32, #tpu.memory_space<vmem>> -> memref<2048xf32, #tpu.memory_space<vmem>>
      %get3A_137 = arith.index_cast %mul3A_133 : i32 to index
      %get3A_138 = tpu.vector_load %get3A_136[%get3A_137] {strides = array<i32>} : memref<2048xf32, #tpu.memory_space<vmem>>, vector<16xf32>,
      %get3A_139 = vector.shape_cast %get3A_138 : vector<16xf32> to vector<16xf32>
      %get3A_140 = arith.constant 0 : i32
      %get3A_141 = tpu.memref_slice %arg8[%scan3A_60, %get3A_140] : memref<1x2048xf32, #tpu.memory_space<vmem>> -> memref<1x2048xf32, #tpu.memory_space<vmem>>
      %get3A_142 = tpu.memref_squeeze %get3A_141 : memref<1x2048xf32, #tpu.memory_space<vmem>> -> memref<2048xf32, #tpu.memory_space<vmem>>
      %get3A_143 = arith.index_cast %mul3A_133 : i32 to index
      %get3A_144 = tpu.vector_load %get3A_142[%get3A_143] {strides = array<i32>} : memref<2048xf32, #tpu.memory_space<vmem>>, vector<16xf32>,
      %get3A_145 = vector.shape_cast %get3A_144 : vector<16xf32> to vector<16xf32>
      %mul3A_146 = arith.mulf %get3A_139, %get3A_145 : vector<16xf32>
      %add3A_147 = arith.addf %scan3A_131, %mul3A_146 : vector<16xf32>
      %scan3A_148 = arith.constant 1 : i32
      %scan3A_149 = arith.addi %scan3A_130, %scan3A_148 : i32
      %mul3A_150 = arith.constant 16 : i32
      %mul3A_151 = arith.muli %scan3A_149, %mul3A_150 : i32
      %get3A_152 = arith.constant 0 : i32
      %get3A_153 = tpu.memref_slice %arg7[%scan3A, %get3A_152] : memref<16x2048xf32, #tpu.memory_space<vmem>> -> memref<1x2048xf32, #tpu.memory_space<vmem>>
      %get3A_154 = tpu.memref_squeeze %get3A_153 : memref<1x2048xf32, #tpu.memory_space<vmem>> -> memref<2048xf32, #tpu.memory_space<vmem>>
      %get3A_155 = arith.index_cast %mul3A_151 : i32 to index
      %get3A_156 = tpu.vector_load %get3A_154[%get3A_155] {strides = array<i32>} : memref<2048xf32, #tpu.memory_space<vmem>>, vector<16xf32>,
      %get3A_157 = vector.shape_cast %get3A_156 : vector<16xf32> to vector<16xf32>
      %get3A_158 = arith.constant 0 : i32
      %get3A_159 = tpu.memref_slice %arg8[%scan3A_60, %get3A_158] : memref<1x2048xf32, #tpu.memory_space<vmem>> -> memref<1x2048xf32, #tpu.memory_space<vmem>>
      %get3A_160 = tpu.memref_squeeze %get3A_159 : memref<1x2048xf32, #tpu.memory_space<vmem>> -> memref<2048xf32, #tpu.memory_space<vmem>>
      %get3A_161 = arith.index_cast %mul3A_151 : i32 to index
      %get3A_162 = tpu.vector_load %get3A_160[%get3A_161] {strides = array<i32>} : memref<2048xf32, #tpu.memory_space<vmem>>, vector<16xf32>,
      %get3A_163 = vector.shape_cast %get3A_162 : vector<16xf32> to vector<16xf32>
      %mul3A_164 = arith.mulf %get3A_157, %get3A_163 : vector<16xf32>
      %add3A_165 = arith.addf %add3A_147, %mul3A_164 : vector<16xf32>
      %scan3A_166 = arith.constant 2 : i32
      %scan3A_167 = arith.addi %scan3A_130, %scan3A_166 : i32
      %mul3A_168 = arith.constant 16 : i32
      %mul3A_169 = arith.muli %scan3A_167, %mul3A_168 : i32
      %get3A_170 = arith.constant 0 : i32
      %get3A_171 = tpu.memref_slice %arg7[%scan3A, %get3A_170] : memref<16x2048xf32, #tpu.memory_space<vmem>> -> memref<1x2048xf32, #tpu.memory_space<vmem>>
      %get3A_172 = tpu.memref_squeeze %get3A_171 : memref<1x2048xf32, #tpu.memory_space<vmem>> -> memref<2048xf32, #tpu.memory_space<vmem>>
      %get3A_173 = arith.index_cast %mul3A_169 : i32 to index
      %get3A_174 = tpu.vector_load %get3A_172[%get3A_173] {strides = array<i32>} : memref<2048xf32, #tpu.memory_space<vmem>>, vector<16xf32>,
      %get3A_175 = vector.shape_cast %get3A_174 : vector<16xf32> to vector<16xf32>
      %get3A_176 = arith.constant 0 : i32
      %get3A_177 = tpu.memref_slice %arg8[%scan3A_60, %get3A_176] : memref<1x2048xf32, #tpu.memory_space<vmem>> -> memref<1x2048xf32, #tpu.memory_space<vmem>>
      %get3A_178 = tpu.memref_squeeze %get3A_177 : memref<1x2048xf32, #tpu.memory_space<vmem>> -> memref<2048xf32, #tpu.memory_space<vmem>>
      %get3A_179 = arith.index_cast %mul3A_169 : i32 to index
      %get3A_180 = tpu.vector_load %get3A_178[%get3A_179] {strides = array<i32>} : memref<2048xf32, #tpu.memory_space<vmem>>, vector<16xf32>,
      %get3A_181 = vector.shape_cast %get3A_180 : vector<16xf32> to vector<16xf32>
      %mul3A_182 = arith.mulf %get3A_175, %get3A_181 : vector<16xf32>
      %add3A_183 = arith.addf %add3A_165, %mul3A_182 : vector<16xf32>
      %scan3A_184 = arith.constant 3 : i32
      %scan3A_185 = arith.addi %scan3A_130, %scan3A_184 : i32
      %mul3A_186 = arith.constant 16 : i32
      %mul3A_187 = arith.muli %scan3A_185, %mul3A_186 : i32
      %get3A_188 = arith.constant 0 : i32
      %get3A_189 = tpu.memref_slice %arg7[%scan3A, %get3A_188] : memref<16x2048xf32, #tpu.memory_space<vmem>> -> memref<1x2048xf32, #tpu.memory_space<vmem>>
      %get3A_190 = tpu.memref_squeeze %get3A_189 : memref<1x2048xf32, #tpu.memory_space<vmem>> -> memref<2048xf32, #tpu.memory_space<vmem>>
      %get3A_191 = arith.index_cast %mul3A_187 : i32 to index
      %get3A_192 = tpu.vector_load %get3A_190[%get3A_191] {strides = array<i32>} : memref<2048xf32, #tpu.memory_space<vmem>>, vector<16xf32>,
      %get3A_193 = vector.shape_cast %get3A_192 : vector<16xf32> to vector<16xf32>
      %get3A_194 = arith.constant 0 : i32
      %get3A_195 = tpu.memref_slice %arg8[%scan3A_60, %get3A_194] : memref<1x2048xf32, #tpu.memory_space<vmem>> -> memref<1x2048xf32, #tpu.memory_space<vmem>>
      %get3A_196 = tpu.memref_squeeze %get3A_195 : memref<1x2048xf32, #tpu.memory_space<vmem>> -> memref<2048xf32, #tpu.memory_space<vmem>>
      %get3A_197 = arith.index_cast %mul3A_187 : i32 to index
      %get3A_198 = tpu.vector_load %get3A_196[%get3A_197] {strides = array<i32>} : memref<2048xf32, #tpu.memory_space<vmem>>, vector<16xf32>,
      %get3A_199 = vector.shape_cast %get3A_198 : vector<16xf32> to vector<16xf32>
      %mul3A_200 = arith.mulf %get3A_193, %get3A_199 : vector<16xf32>
      %add3A_201 = arith.addf %add3A_183, %mul3A_200 : vector<16xf32>
      %scan3A_202 = arith.constant 4 : i32
      %scan3A_203 = arith.addi %scan3A_130, %scan3A_202 : i32
      %mul3A_204 = arith.constant 16 : i32
      %mul3A_205 = arith.muli %scan3A_203, %mul3A_204 : i32
      %get3A_206 = arith.constant 0 : i32
      %get3A_207 = tpu.memref_slice %arg7[%scan3A, %get3A_206] : memref<16x2048xf32, #tpu.memory_space<vmem>> -> memref<1x2048xf32, #tpu.memory_space<vmem>>
      %get3A_208 = tpu.memref_squeeze %get3A_207 : memref<1x2048xf32, #tpu.memory_space<vmem>> -> memref<2048xf32, #tpu.memory_space<vmem>>
      %get3A_209 = arith.index_cast %mul3A_205 : i32 to index
      %get3A_210 = tpu.vector_load %get3A_208[%get3A_209] {strides = array<i32>} : memref<2048xf32, #tpu.memory_space<vmem>>, vector<16xf32>,
      %get3A_211 = vector.shape_cast %get3A_210 : vector<16xf32> to vector<16xf32>
      %get3A_212 = arith.constant 0 : i32
      %get3A_213 = tpu.memref_slice %arg8[%scan3A_60, %get3A_212] : memref<1x2048xf32, #tpu.memory_space<vmem>> -> memref<1x2048xf32, #tpu.memory_space<vmem>>
      %get3A_214 = tpu.memref_squeeze %get3A_213 : memref<1x2048xf32, #tpu.memory_space<vmem>> -> memref<2048xf32, #tpu.memory_space<vmem>>
      %get3A_215 = arith.index_cast %mul3A_205 : i32 to index
      %get3A_216 = tpu.vector_load %get3A_214[%get3A_215] {strides = array<i32>} : memref<2048xf32, #tpu.memory_space<vmem>>, vector<16xf32>,
      %get3A_217 = vector.shape_cast %get3A_216 : vector<16xf32> to vector<16xf32>
      %mul3A_218 = arith.mulf %get3A_211, %get3A_217 : vector<16xf32>
      %add3A_219 = arith.addf %add3A_201, %mul3A_218 : vector<16xf32>
      %scan3A_220 = arith.constant 5 : i32
      %scan3A_221 = arith.addi %scan3A_130, %scan3A_220 : i32
      %mul3A_222 = arith.constant 16 : i32
      %mul3A_223 = arith.muli %scan3A_221, %mul3A_222 : i32
      %get3A_224 = arith.constant 0 : i32
      %get3A_225 = tpu.memref_slice %arg7[%scan3A, %get3A_224] : memref<16x2048xf32, #tpu.memory_space<vmem>> -> memref<1x2048xf32, #tpu.memory_space<vmem>>
      %get3A_226 = tpu.memref_squeeze %get3A_225 : memref<1x2048xf32, #tpu.memory_space<vmem>> -> memref<2048xf32, #tpu.memory_space<vmem>>
      %get3A_227 = arith.index_cast %mul3A_223 : i32 to index
      %get3A_228 = tpu.vector_load %get3A_226[%get3A_227] {strides = array<i32>} : memref<2048xf32, #tpu.memory_space<vmem>>, vector<16xf32>,
      %get3A_229 = vector.shape_cast %get3A_228 : vector<16xf32> to vector<16xf32>
      %get3A_230 = arith.constant 0 : i32
      %get3A_231 = tpu.memref_slice %arg8[%scan3A_60, %get3A_230] : memref<1x2048xf32, #tpu.memory_space<vmem>> -> memref<1x2048xf32, #tpu.memory_space<vmem>>
      %get3A_232 = tpu.memref_squeeze %get3A_231 : memref<1x2048xf32, #tpu.memory_space<vmem>> -> memref<2048xf32, #tpu.memory_space<vmem>>
      %get3A_233 = arith.index_cast %mul3A_223 : i32 to index
      %get3A_234 = tpu.vector_load %get3A_232[%get3A_233] {strides = array<i32>} : memref<2048xf32, #tpu.memory_space<vmem>>, vector<16xf32>,
      %get3A_235 = vector.shape_cast %get3A_234 : vector<16xf32> to vector<16xf32>
      %mul3A_236 = arith.mulf %get3A_229, %get3A_235 : vector<16xf32>
      %add3A_237 = arith.addf %add3A_219, %mul3A_236 : vector<16xf32>
      %scan3A_238 = arith.constant 6 : i32
      %scan3A_239 = arith.addi %scan3A_130, %scan3A_238 : i32
      %mul3A_240 = arith.constant 16 : i32
      %mul3A_241 = arith.muli %scan3A_239, %mul3A_240 : i32
      %get3A_242 = arith.constant 0 : i32
      %get3A_243 = tpu.memref_slice %arg7[%scan3A, %get3A_242] : memref<16x2048xf32, #tpu.memory_space<vmem>> -> memref<1x2048xf32, #tpu.memory_space<vmem>>
      %get3A_244 = tpu.memref_squeeze %get3A_243 : memref<1x2048xf32, #tpu.memory_space<vmem>> -> memref<2048xf32, #tpu.memory_space<vmem>>
      %get3A_245 = arith.index_cast %mul3A_241 : i32 to index
      %get3A_246 = tpu.vector_load %get3A_244[%get3A_245] {strides = array<i32>} : memref<2048xf32, #tpu.memory_space<vmem>>, vector<16xf32>,
      %get3A_247 = vector.shape_cast %get3A_246 : vector<16xf32> to vector<16xf32>
      %get3A_248 = arith.constant 0 : i32
      %get3A_249 = tpu.memref_slice %arg8[%scan3A_60, %get3A_248] : memref<1x2048xf32, #tpu.memory_space<vmem>> -> memref<1x2048xf32, #tpu.memory_space<vmem>>
      %get3A_250 = tpu.memref_squeeze %get3A_249 : memref<1x2048xf32, #tpu.memory_space<vmem>> -> memref<2048xf32, #tpu.memory_space<vmem>>
      %get3A_251 = arith.index_cast %mul3A_241 : i32 to index
      %get3A_252 = tpu.vector_load %get3A_250[%get3A_251] {strides = array<i32>} : memref<2048xf32, #tpu.memory_space<vmem>>, vector<16xf32>,
      %get3A_253 = vector.shape_cast %get3A_252 : vector<16xf32> to vector<16xf32>
      %mul3A_254 = arith.mulf %get3A_247, %get3A_253 : vector<16xf32>
      %add3A_255 = arith.addf %add3A_237, %mul3A_254 : vector<16xf32>
      %scan3A_256 = arith.constant 7 : i32
      %scan3A_257 = arith.addi %scan3A_130, %scan3A_256 : i32
      %mul3A_258 = arith.constant 16 : i32
      %mul3A_259 = arith.muli %scan3A_257, %mul3A_258 : i32
      %get3A_260 = arith.constant 0 : i32
      %get3A_261 = tpu.memref_slice %arg7[%scan3A, %get3A_260] : memref<16x2048xf32, #tpu.memory_space<vmem>> -> memref<1x2048xf32, #tpu.memory_space<vmem>>
      %get3A_262 = tpu.memref_squeeze %get3A_261 : memref<1x2048xf32, #tpu.memory_space<vmem>> -> memref<2048xf32, #tpu.memory_space<vmem>>
      %get3A_263 = arith.index_cast %mul3A_259 : i32 to index
      %get3A_264 = tpu.vector_load %get3A_262[%get3A_263] {strides = array<i32>} : memref<2048xf32, #tpu.memory_space<vmem>>, vector<16xf32>,
      %get3A_265 = vector.shape_cast %get3A_264 : vector<16xf32> to vector<16xf32>
      %get3A_266 = arith.constant 0 : i32
      %get3A_267 = tpu.memref_slice %arg8[%scan3A_60, %get3A_266] : memref<1x2048xf32, #tpu.memory_space<vmem>> -> memref<1x2048xf32, #tpu.memory_space<vmem>>
      %get3A_268 = tpu.memref_squeeze %get3A_267 : memref<1x2048xf32, #tpu.memory_space<vmem>> -> memref<2048xf32, #tpu.memory_space<vmem>>
      %get3A_269 = arith.index_cast %mul3A_259 : i32 to index
      %get3A_270 = tpu.vector_load %get3A_268[%get3A_269] {strides = array<i32>} : memref<2048xf32, #tpu.memory_space<vmem>>, vector<16xf32>,
      %get3A_271 = vector.shape_cast %get3A_270 : vector<16xf32> to vector<16xf32>
      %mul3A_272 = arith.mulf %get3A_265, %get3A_271 : vector<16xf32>
      %add3A_273 = arith.addf %add3A_255, %mul3A_272 : vector<16xf32>
      scf.yield %add3A_273 : vector<16xf32>
    }
    %scan3A_66 = arith.constant 128 : i32
    %iota3A = tpu.iota {dimensions = array<i32: 0>} : vector<16xi32>
    %xor3A = arith.constant 8 : i32
    %xor3A_67 = vector.broadcast %xor3A : i32 to vector<16xi32>
    %xor3A_68 = arith.xori %iota3A, %xor3A_67 : vector<16xi32>
    %lt3A_69 = arith.constant 0 : i32
    %lt3A_70 = vector.broadcast %lt3A_69 : i32 to vector<16xi32>
    %lt3A_71 = arith.cmpi slt, %xor3A_68, %lt3A_70 : vector<16xi32>
    %add3A_72 = arith.constant 16 : i32
    %add3A_73 = vector.broadcast %add3A_72 : i32 to vector<16xi32>
    %add3A_74 = arith.addi %xor3A_68, %add3A_73 : vector<16xi32>
    %select_n3A_75 = arith.select %lt3A_71, %add3A_74, %xor3A_68 : vector<16xi1>, vector<16xi32>
    %broadcast_in_dim3A_76 = vector.shape_cast %select_n3A_75 : vector<16xi32> to vector<16x1xi32>
    %gather3A_77 = vector.shape_cast %broadcast_in_dim3A_76 : vector<16x1xi32> to vector<16xi32>
    %gather3A_78 = tpu.dynamic_gather %scan3A_65[%gather3A_77] in [0] : vector<16xf32>, vector<16xi32> -> vector<16xf32>
    %add3A_79 = arith.addf %scan3A_65, %gather3A_78 : vector<16xf32>
    %xor3A_80 = arith.constant 4 : i32
    %xor3A_81 = vector.broadcast %xor3A_80 : i32 to vector<16xi32>
    %xor3A_82 = arith.xori %iota3A, %xor3A_81 : vector<16xi32>
    %lt3A_83 = arith.constant 0 : i32
    %lt3A_84 = vector.broadcast %lt3A_83 : i32 to vector<16xi32>
    %lt3A_85 = arith.cmpi slt, %xor3A_82, %lt3A_84 : vector<16xi32>
    %add3A_86 = arith.constant 16 : i32
    %add3A_87 = vector.broadcast %add3A_86 : i32 to vector<16xi32>
    %add3A_88 = arith.addi %xor3A_82, %add3A_87 : vector<16xi32>
    %select_n3A_89 = arith.select %lt3A_85, %add3A_88, %xor3A_82 : vector<16xi1>, vector<16xi32>
    %broadcast_in_dim3A_90 = vector.shape_cast %select_n3A_89 : vector<16xi32> to vector<16x1xi32>
    %gather3A_91 = vector.shape_cast %broadcast_in_dim3A_90 : vector<16x1xi32> to vector<16xi32>
    %gather3A_92 = tpu.dynamic_gather %add3A_79[%gather3A_91] in [0] : vector<16xf32>, vector<16xi32> -> vector<16xf32>
    %add3A_93 = arith.addf %add3A_79, %gather3A_92 : vector<16xf32>
    %xor3A_94 = arith.constant 2 : i32
    %xor3A_95 = vector.broadcast %xor3A_94 : i32 to vector<16xi32>
    %xor3A_96 = arith.xori %iota3A, %xor3A_95 : vector<16xi32>
    %lt3A_97 = arith.constant 0 : i32
    %lt3A_98 = vector.broadcast %lt3A_97 : i32 to vector<16xi32>
    %lt3A_99 = arith.cmpi slt, %xor3A_96, %lt3A_98 : vector<16xi32>
    %add3A_100 = arith.constant 16 : i32
    %add3A_101 = vector.broadcast %add3A_100 : i32 to vector<16xi32>
    %add3A_102 = arith.addi %xor3A_96, %add3A_101 : vector<16xi32>
    %select_n3A_103 = arith.select %lt3A_99, %add3A_102, %xor3A_96 : vector<16xi1>, vector<16xi32>
    %broadcast_in_dim3A_104 = vector.shape_cast %select_n3A_103 : vector<16xi32> to vector<16x1xi32>
    %gather3A_105 = vector.shape_cast %broadcast_in_dim3A_104 : vector<16x1xi32> to vector<16xi32>
    %gather3A_106 = tpu.dynamic_gather %add3A_93[%gather3A_105] in [0] : vector<16xf32>, vector<16xi32> -> vector<16xf32>
    %add3A_107 = arith.addf %add3A_93, %gather3A_106 : vector<16xf32>
    %xor3A_108 = arith.constant 1 : i32
    %xor3A_109 = vector.broadcast %xor3A_108 : i32 to vector<16xi32>
    %xor3A_110 = arith.xori %iota3A, %xor3A_109 : vector<16xi32>
    %lt3A_111 = arith.constant 0 : i32
    %lt3A_112 = vector.broadcast %lt3A_111 : i32 to vector<16xi32>
    %lt3A_113 = arith.cmpi slt, %xor3A_110, %lt3A_112 : vector<16xi32>
    %add3A_114 = arith.constant 16 : i32
    %add3A_115 = vector.broadcast %add3A_114 : i32 to vector<16xi32>
    %add3A_116 = arith.addi %xor3A_110, %add3A_115 : vector<16xi32>
    %select_n3A_117 = arith.select %lt3A_113, %add3A_116, %xor3A_110 : vector<16xi1>, vector<16xi32>
    %broadcast_in_dim3A_118 = vector.shape_cast %select_n3A_117 : vector<16xi32> to vector<16x1xi32>
    %gather3A_119 = vector.shape_cast %broadcast_in_dim3A_118 : vector<16x1xi32> to vector<16xi32>
    %gather3A_120 = tpu.dynamic_gather %add3A_107[%gather3A_119] in [0] : vector<16xf32>, vector<16xi32> -> vector<16xf32>
    %add3A_121 = arith.addf %add3A_107, %gather3A_120 : vector<16xf32>
    %slice3A = vector.extract_strided_slice %add3A_121 {offsets = [0], sizes = [1], strides = [1]} : vector<16xf32> to vector<1xf32>
    %squeeze3A = vector.extract %slice3A[0] : f32 from vector<1xf32>
    %broadcast_in_dim3A_122 = vector.broadcast %squeeze3A : f32 to vector<16xf32>
    %swap3A = arith.constant 0 : i32
    %swap3A_123 = arith.constant 0 : i32
    %swap3A_124 = arith.index_cast %swap3A : i32 to index
    %swap3A_125 = arith.index_cast %swap3A_123 : i32 to index
    %swap3A_126 = arith.constant 0 : index
    %swap3A_127 = tpu.vector_load %arg9[%swap3A_124, %swap3A_125, %swap3A_126] {strides = array<i32>} : memref<1x1x16xf32, #tpu.memory_space<vmem>>, vector<1x1x16xf32>,
    %swap3A_128 = vector.shape_cast %swap3A_127 : vector<1x1x16xf32> to vector<16xf32>
    %swap3A_129 = vector.shape_cast %broadcast_in_dim3A_122 : vector<16xf32> to vector<1x1x16xf32>
    tpu.vector_store %arg9[%swap3A_124, %swap3A_125, %swap3A_126], %swap3A_129 {strides = array<i32>} : memref<1x1x16xf32, #tpu.memory_space<vmem>>, vector<1x1x16xf32>,
    "tpu.region"() ({
      %run_scoped3A = tpu.sem_alloc : memref<!tpu.dma_semaphore, #tpu.memory_space<semaphore_mem>>
      %dma_start3A_130 = arith.constant 0 : i32
      %dma_start3A_131 = tpu.memref_slice %arg5[%add3A, %select_n3A_30, %dma_start3A_130] : memref<4x8x16xf32, #tpu.memory_space<hbm>> -> memref<1x1x16xf32, #tpu.memory_space<hbm>>
      %dma_start3A_132 = arith.constant 0 : i32
      %dma_start3A_133 = tpu.memref_slice %arg5[%add3A, %select_n3A_30, %dma_start3A_132] : memref<4x8x16xf32, #tpu.memory_space<hbm>> -> memref<1x1x16xf32, #tpu.memory_space<hbm>>
      tpu.enqueue_dma source(%arg9 : memref<1x1x16xf32, #tpu.memory_space<vmem>>) target(%dma_start3A_133 : memref<1x1x16xf32, #tpu.memory_space<hbm>>) target_semaphore(%run_scoped3A : memref<!tpu.dma_semaphore, #tpu.memory_space<semaphore_mem>>)
      %dma_wait3A_134 = arith.constant 0 : i32
      %dma_wait3A_135 = tpu.memref_slice %arg5[%add3A, %select_n3A_30, %dma_wait3A_134] : memref<4x8x16xf32, #tpu.memory_space<hbm>> -> memref<1x1x16xf32, #tpu.memory_space<hbm>>
      %dma_wait3A_136 = arith.constant 0 : i32
      %dma_wait3A_137 = tpu.memref_slice %arg5[%add3A, %select_n3A_30, %dma_wait3A_136] : memref<4x8x16xf32, #tpu.memory_space<hbm>> -> memref<1x1x16xf32, #tpu.memory_space<hbm>>
      tpu.wait_dma2 semaphore(%run_scoped3A : memref<!tpu.dma_semaphore, #tpu.memory_space<semaphore_mem>>) src(%arg9 : memref<1x1x16xf32, #tpu.memory_space<vmem>>) dst(%dma_wait3A_137 : memref<1x1x16xf32, #tpu.memory_space<hbm>>)
      tpu.yield
    }) : () -> ()
    return
  }
}

module attributes {stable_mosaic.version = 14 : i64} {
  func.func @_tc_shared_body(%arg0: i32, %arg1: i32, %arg2: memref<1x1024x2048xf32, #tpu.memory_space<vmem>>, %arg3: memref<64x2048xbf16, #tpu.memory_space<vmem>>, %arg4: memref<1x1024x64xbf16, #tpu.memory_space<vmem>>) attributes {dimension_semantics = [#tpu.dimension_semantics<arbitrary>, #tpu.dimension_semantics<arbitrary>], iteration_bounds = array<i64: 4, 2>, scalar_prefetch = 0 : i64, scratch_operands = 0 : i64, tpu.core_type = #tpu.core_type<tc>, window_params = [{transform_indices = @transform_0, window_bounds = array<i64: 1, 1024, 2048>}, {pipeline_mode = #tpu.pipeline_mode<synchronous>, transform_indices = @transform_1, window_bounds = array<i64: 64, 2048>}, {transform_indices = @transform_2, window_bounds = array<i64: 1, 1024, 64>}]} {
    %get3A = arith.constant 0 : index
    %get3A_0 = arith.constant 0 : index
    %get3A_1 = arith.constant 0 : index
    %get3A_2 = vector.load %arg2[%get3A, %get3A_0, %get3A_1] : memref<1x1024x2048xf32, #tpu.memory_space<vmem>>, vector<1x1024x2048xf32>
    %get3A_3 = vector.shape_cast %get3A_2 : vector<1x1024x2048xf32> to vector<1024x2048xf32>
    %convert_element_type3A = arith.truncf %get3A_3 : vector<1024x2048xf32> to vector<1024x2048xbf16>
    %get3A_4 = arith.constant 0 : index
    %get3A_5 = arith.constant 0 : index
    %get3A_6 = vector.load %arg3[%get3A_4, %get3A_5] : memref<64x2048xbf16, #tpu.memory_space<vmem>>, vector<64x2048xbf16>
    %dot_general3A = arith.constant dense<0.000000e+00> : vector<1024x64xf32>
    %dot_general3A_7 = tpu.matmul %convert_element_type3A, %get3A_6, %dot_general3A {dimension_numbers = #tpu.dot_dimension_numbers<[1], [1], [0], [0], [0, 0, 1, 0], [], []>, transpose_lhs_hint = false} : vector<1024x2048xbf16>, vector<64x2048xbf16>, vector<1024x64xf32> -> vector<1024x64xf32>
    %convert_element_type3A_8 = arith.truncf %dot_general3A_7 : vector<1024x64xf32> to vector<1024x64xbf16>
    %swap3A = arith.constant 0 : index
    %swap3A_9 = arith.constant 0 : index
    %swap3A_10 = arith.constant 0 : index
    %swap3A_11 = vector.load %arg4[%swap3A, %swap3A_9, %swap3A_10] : memref<1x1024x64xbf16, #tpu.memory_space<vmem>>, vector<1x1024x64xbf16>
    %swap3A_12 = vector.shape_cast %swap3A_11 : vector<1x1024x64xbf16> to vector<1024x64xbf16>
    %swap3A_13 = vector.shape_cast %convert_element_type3A_8 : vector<1024x64xbf16> to vector<1x1024x64xbf16>
    tpu.vector_store %arg4[%swap3A, %swap3A_9, %swap3A_10], %swap3A_13 {strides = array<i32>} : memref<1x1024x64xbf16, #tpu.memory_space<vmem>>, vector<1x1024x64xbf16>,
    return
  }
  func.func @transform_0(%arg0: i32, %arg1: i32) -> (i32, i32, i32) {
    %c0_i32 = arith.constant 0 : i32
    %c0_i32_0 = arith.constant 0 : i32
    return %arg0, %arg1, %c0_i32 : i32, i32, i32
  }
  func.func @transform_1(%arg0: i32, %arg1: i32) -> (i32, i32) {
    %c0_i32 = arith.constant 0 : i32
    %c0_i32_0 = arith.constant 0 : i32
    %c0_i32_1 = arith.constant 0 : i32
    return %c0_i32, %c0_i32_0 : i32, i32
  }
  func.func @transform_2(%arg0: i32, %arg1: i32) -> (i32, i32, i32) {
    %c0_i32 = arith.constant 0 : i32
    %c0_i32_0 = arith.constant 0 : i32
    return %arg0, %arg1, %c0_i32 : i32, i32, i32
  }
}

module attributes {stable_mosaic.version = 14 : i64} {
  func.func @_tc_out_body(%arg0: i32, %arg1: i32, %arg2: memref<4x8x16xf32, #tpu.memory_space<vmem>>, %arg3: memref<1x1024x64xbf16, #tpu.memory_space<vmem>>, %arg4: memref<8x2048x64xf32, #tpu.memory_space<vmem>>, %arg5: memref<1x1024x2048xf32, #tpu.memory_space<vmem>>, %arg6: memref<2048x64xbf16, #tpu.memory_space<vmem>>) attributes {dimension_semantics = [#tpu.dimension_semantics<arbitrary>, #tpu.dimension_semantics<arbitrary>], iteration_bounds = array<i64: 4, 2>, scalar_prefetch = 0 : i64, scratch_operands = 1 : i64, tpu.core_type = #tpu.core_type<tc>, window_params = [{pipeline_mode = #tpu.pipeline_mode<synchronous>, transform_indices = @transform_0, window_bounds = array<i64: 4, 8, 16>}, {transform_indices = @transform_1, window_bounds = array<i64: 1, 1024, 64>}, {pipeline_mode = #tpu.pipeline_mode<synchronous>, transform_indices = @transform_2, window_bounds = array<i64: 8, 2048, 64>}, {transform_indices = @transform_3, window_bounds = array<i64: 1, 1024, 2048>}]} {
    %eq3A = arith.constant 0 : i32
    %eq3A_0 = arith.cmpi eq, %arg1, %eq3A : i32
    %convert_element_type3A = arith.extui %eq3A_0 : i1 to i32
    %cond3A = arith.constant 0 : i32
    %cond3A_1 = arith.cmpi ne, %convert_element_type3A, %cond3A : i32
    scf.if %cond3A_1 {
      %iota3A = tpu.iota {dimensions = array<i32: 0>} : vector<4x8x16xi32>
      %eq3A_15 = vector.broadcast %arg0 : i32 to vector<4x8x16xi32>
      %eq3A_16 = arith.cmpi eq, %iota3A, %eq3A_15 : vector<4x8x16xi32>
      %get3A_17 = arith.constant 0 : index
      %get3A_18 = arith.constant 0 : index
      %get3A_19 = arith.constant 0 : index
      %get3A_20 = vector.load %arg2[%get3A_17, %get3A_18, %get3A_19] : memref<4x8x16xf32, #tpu.memory_space<vmem>>, vector<4x8x16xf32>
      %jit3A = arith.constant 0.000000e+00 : f32
      %broadcast_in_dim3A = vector.broadcast %jit3A : f32 to vector<4x8x16xf32>
      %select_n3A = arith.select %eq3A_16, %get3A_20, %broadcast_in_dim3A : vector<4x8x16xi1>, vector<4x8x16xf32>
      %reduce_sum3A = arith.constant dense<0.000000e+00> : vector<8x16xf32>
      %reduce_sum3A_21 = vector.multi_reduction <add>, %select_n3A, %reduce_sum3A [0] : vector<4x8x16xf32> to vector<8x16xf32>
      %slice3A = vector.extract_strided_slice %reduce_sum3A_21 {offsets = [0, 0], sizes = [1, 1], strides = [1, 1]} : vector<8x16xf32> to vector<1x1xf32>
      %squeeze3A = vector.extract %slice3A[0, 0] : f32 from vector<1x1xf32>
      %slice3A_22 = vector.extract_strided_slice %reduce_sum3A_21 {offsets = [1, 0], sizes = [1, 1], strides = [1, 1]} : vector<8x16xf32> to vector<1x1xf32>
      %squeeze3A_23 = vector.extract %slice3A_22[0, 0] : f32 from vector<1x1xf32>
      %slice3A_24 = vector.extract_strided_slice %reduce_sum3A_21 {offsets = [2, 0], sizes = [1, 1], strides = [1, 1]} : vector<8x16xf32> to vector<1x1xf32>
      %squeeze3A_25 = vector.extract %slice3A_24[0, 0] : f32 from vector<1x1xf32>
      %slice3A_26 = vector.extract_strided_slice %reduce_sum3A_21 {offsets = [3, 0], sizes = [1, 1], strides = [1, 1]} : vector<8x16xf32> to vector<1x1xf32>
      %squeeze3A_27 = vector.extract %slice3A_26[0, 0] : f32 from vector<1x1xf32>
      %slice3A_28 = vector.extract_strided_slice %reduce_sum3A_21 {offsets = [4, 0], sizes = [1, 1], strides = [1, 1]} : vector<8x16xf32> to vector<1x1xf32>
      %squeeze3A_29 = vector.extract %slice3A_28[0, 0] : f32 from vector<1x1xf32>
      %slice3A_30 = vector.extract_strided_slice %reduce_sum3A_21 {offsets = [5, 0], sizes = [1, 1], strides = [1, 1]} : vector<8x16xf32> to vector<1x1xf32>
      %squeeze3A_31 = vector.extract %slice3A_30[0, 0] : f32 from vector<1x1xf32>
      %slice3A_32 = vector.extract_strided_slice %reduce_sum3A_21 {offsets = [6, 0], sizes = [1, 1], strides = [1, 1]} : vector<8x16xf32> to vector<1x1xf32>
      %squeeze3A_33 = vector.extract %slice3A_32[0, 0] : f32 from vector<1x1xf32>
      %slice3A_34 = vector.extract_strided_slice %reduce_sum3A_21 {offsets = [7, 0], sizes = [1, 1], strides = [1, 1]} : vector<8x16xf32> to vector<1x1xf32>
      %squeeze3A_35 = vector.extract %slice3A_34[0, 0] : f32 from vector<1x1xf32>
      %gt3A = arith.cmpf ogt, %squeeze3A_23, %squeeze3A : f32
      %jit3A_36 = arith.constant 1 : i32
      %jit3A_37 = arith.constant 0 : i32
      %select_n3A_38 = arith.select %gt3A, %jit3A_36, %jit3A_37 : i32
      %select_n3A_39 = arith.select %gt3A, %squeeze3A_23, %squeeze3A : f32
      %gt3A_40 = arith.cmpf ogt, %squeeze3A_25, %select_n3A_39 : f32
      %jit3A_41 = arith.constant 2 : i32
      %select_n3A_42 = arith.select %gt3A_40, %jit3A_41, %select_n3A_38 : i32
      %select_n3A_43 = arith.select %gt3A_40, %squeeze3A_25, %select_n3A_39 : f32
      %gt3A_44 = arith.cmpf ogt, %squeeze3A_27, %select_n3A_43 : f32
      %jit3A_45 = arith.constant 3 : i32
      %select_n3A_46 = arith.select %gt3A_44, %jit3A_45, %select_n3A_42 : i32
      %select_n3A_47 = arith.select %gt3A_44, %squeeze3A_27, %select_n3A_43 : f32
      %gt3A_48 = arith.cmpf ogt, %squeeze3A_29, %select_n3A_47 : f32
      %jit3A_49 = arith.constant 4 : i32
      %select_n3A_50 = arith.select %gt3A_48, %jit3A_49, %select_n3A_46 : i32
      %select_n3A_51 = arith.select %gt3A_48, %squeeze3A_29, %select_n3A_47 : f32
      %gt3A_52 = arith.cmpf ogt, %squeeze3A_31, %select_n3A_51 : f32
      %jit3A_53 = arith.constant 5 : i32
      %select_n3A_54 = arith.select %gt3A_52, %jit3A_53, %select_n3A_50 : i32
      %select_n3A_55 = arith.select %gt3A_52, %squeeze3A_31, %select_n3A_51 : f32
      %gt3A_56 = arith.cmpf ogt, %squeeze3A_33, %select_n3A_55 : f32
      %jit3A_57 = arith.constant 6 : i32
      %select_n3A_58 = arith.select %gt3A_56, %jit3A_57, %select_n3A_54 : i32
      %select_n3A_59 = arith.select %gt3A_56, %squeeze3A_33, %select_n3A_55 : f32
      %gt3A_60 = arith.cmpf ogt, %squeeze3A_35, %select_n3A_59 : f32
      %jit3A_61 = arith.constant 7 : i32
      %select_n3A_62 = arith.select %gt3A_60, %jit3A_61, %select_n3A_58 : i32
      %select_n3A_63 = arith.select %gt3A_60, %squeeze3A_35, %select_n3A_59 : f32
      %gt3A_64 = arith.constant -1.000000e+30 : f32
      %gt3A_65 = arith.cmpf ogt, %squeeze3A, %gt3A_64 : f32
      %ne3A = arith.constant 0 : i32
      %ne3A_66 = arith.cmpi ne, %select_n3A_62, %ne3A : i32
      %and3A = arith.andi %gt3A_65, %ne3A_66 : i1
      %jit3A_67 = arith.constant 0 : i32
      %jit3A_68 = arith.constant 0 : i32
      %select_n3A_69 = arith.select %and3A, %jit3A_67, %jit3A_68 : i32
      %jit3A_70 = arith.constant -1.000000e+30 : f32
      %select_n3A_71 = arith.select %and3A, %squeeze3A, %jit3A_70 : f32
      %gt3A_72 = arith.cmpf ogt, %squeeze3A_23, %select_n3A_71 : f32
      %ne3A_73 = arith.constant 1 : i32
      %ne3A_74 = arith.cmpi ne, %select_n3A_62, %ne3A_73 : i32
      %and3A_75 = arith.andi %gt3A_72, %ne3A_74 : i1
      %jit3A_76 = arith.constant 1 : i32
      %select_n3A_77 = arith.select %and3A_75, %jit3A_76, %select_n3A_69 : i32
      %select_n3A_78 = arith.select %and3A_75, %squeeze3A_23, %select_n3A_71 : f32
      %gt3A_79 = arith.cmpf ogt, %squeeze3A_25, %select_n3A_78 : f32
      %ne3A_80 = arith.constant 2 : i32
      %ne3A_81 = arith.cmpi ne, %select_n3A_62, %ne3A_80 : i32
      %and3A_82 = arith.andi %gt3A_79, %ne3A_81 : i1
      %jit3A_83 = arith.constant 2 : i32
      %select_n3A_84 = arith.select %and3A_82, %jit3A_83, %select_n3A_77 : i32
      %select_n3A_85 = arith.select %and3A_82, %squeeze3A_25, %select_n3A_78 : f32
      %gt3A_86 = arith.cmpf ogt, %squeeze3A_27, %select_n3A_85 : f32
      %ne3A_87 = arith.constant 3 : i32
      %ne3A_88 = arith.cmpi ne, %select_n3A_62, %ne3A_87 : i32
      %and3A_89 = arith.andi %gt3A_86, %ne3A_88 : i1
      %jit3A_90 = arith.constant 3 : i32
      %select_n3A_91 = arith.select %and3A_89, %jit3A_90, %select_n3A_84 : i32
      %select_n3A_92 = arith.select %and3A_89, %squeeze3A_27, %select_n3A_85 : f32
      %gt3A_93 = arith.cmpf ogt, %squeeze3A_29, %select_n3A_92 : f32
      %ne3A_94 = arith.constant 4 : i32
      %ne3A_95 = arith.cmpi ne, %select_n3A_62, %ne3A_94 : i32
      %and3A_96 = arith.andi %gt3A_93, %ne3A_95 : i1
      %jit3A_97 = arith.constant 4 : i32
      %select_n3A_98 = arith.select %and3A_96, %jit3A_97, %select_n3A_91 : i32
      %select_n3A_99 = arith.select %and3A_96, %squeeze3A_29, %select_n3A_92 : f32
      %gt3A_100 = arith.cmpf ogt, %squeeze3A_31, %select_n3A_99 : f32
      %ne3A_101 = arith.constant 5 : i32
      %ne3A_102 = arith.cmpi ne, %select_n3A_62, %ne3A_101 : i32
      %and3A_103 = arith.andi %gt3A_100, %ne3A_102 : i1
      %jit3A_104 = arith.constant 5 : i32
      %select_n3A_105 = arith.select %and3A_103, %jit3A_104, %select_n3A_98 : i32
      %select_n3A_106 = arith.select %and3A_103, %squeeze3A_31, %select_n3A_99 : f32
      %gt3A_107 = arith.cmpf ogt, %squeeze3A_33, %select_n3A_106 : f32
      %ne3A_108 = arith.constant 6 : i32
      %ne3A_109 = arith.cmpi ne, %select_n3A_62, %ne3A_108 : i32
      %and3A_110 = arith.andi %gt3A_107, %ne3A_109 : i1
      %jit3A_111 = arith.constant 6 : i32
      %select_n3A_112 = arith.select %and3A_110, %jit3A_111, %select_n3A_105 : i32
      %select_n3A_113 = arith.select %and3A_110, %squeeze3A_33, %select_n3A_106 : f32
      %gt3A_114 = arith.cmpf ogt, %squeeze3A_35, %select_n3A_113 : f32
      %ne3A_115 = arith.constant 7 : i32
      %ne3A_116 = arith.cmpi ne, %select_n3A_62, %ne3A_115 : i32
      %and3A_117 = arith.andi %gt3A_114, %ne3A_116 : i1
      %jit3A_118 = arith.constant 7 : i32
      %select_n3A_119 = arith.select %and3A_117, %jit3A_118, %select_n3A_112 : i32
      %select_n3A_120 = arith.select %and3A_117, %squeeze3A_35, %select_n3A_113 : f32
      %sub3A = arith.subf %select_n3A_120, %select_n3A_63 : f32
      %exp3A = math.exp %sub3A : f32
      %add3A = arith.constant 1.000000e+00 : f32
      %add3A_121 = arith.addf %add3A, %exp3A : f32
      %div3A = arith.constant 2.500000e-01 : f32
      %div3A_122 = arith.divf %div3A, %add3A_121 : f32
      %mul3A = arith.constant 2.500000e-01 : f32
      %mul3A_123 = arith.mulf %mul3A, %exp3A : f32
      %div3A_124 = arith.divf %mul3A_123, %add3A_121 : f32
      %broadcast_in_dim3A_125 = arith.constant 0.000000e+00 : f32
      %broadcast_in_dim3A_126 = vector.broadcast %broadcast_in_dim3A_125 : f32 to vector<2048x64xf32>
      %eq3A_127 = arith.constant 0 : i32
      %eq3A_128 = arith.cmpi eq, %select_n3A_62, %eq3A_127 : i32
      %jit3A_129 = arith.constant 0.000000e+00 : f32
      %select_n3A_130 = arith.select %eq3A_128, %div3A_122, %jit3A_129 : f32
      %eq3A_131 = arith.constant 0 : i32
      %eq3A_132 = arith.cmpi eq, %select_n3A_119, %eq3A_131 : i32
      %jit3A_133 = arith.constant 0.000000e+00 : f32
      %select_n3A_134 = arith.select %eq3A_132, %div3A_124, %jit3A_133 : f32
      %add3A_135 = arith.addf %select_n3A_130, %select_n3A_134 : f32
      %get3A_136 = arith.constant 0 : index
      %get3A_137 = arith.constant 0 : index
      %get3A_138 = arith.constant 0 : index
      %get3A_139 = vector.load %arg4[%get3A_136, %get3A_137, %get3A_138] : memref<8x2048x64xf32, #tpu.memory_space<vmem>>, vector<1x2048x64xf32>
      %get3A_140 = vector.shape_cast %get3A_139 : vector<1x2048x64xf32> to vector<2048x64xf32>
      %mul3A_141 = vector.broadcast %add3A_135 : f32 to vector<2048x64xf32>
      %mul3A_142 = arith.mulf %mul3A_141, %get3A_140 : vector<2048x64xf32>
      %add3A_143 = arith.addf %broadcast_in_dim3A_126, %mul3A_142 : vector<2048x64xf32>
      %eq3A_144 = arith.constant 1 : i32
      %eq3A_145 = arith.cmpi eq, %select_n3A_62, %eq3A_144 : i32
      %jit3A_146 = arith.constant 0.000000e+00 : f32
      %select_n3A_147 = arith.select %eq3A_145, %div3A_122, %jit3A_146 : f32
      %eq3A_148 = arith.constant 1 : i32
      %eq3A_149 = arith.cmpi eq, %select_n3A_119, %eq3A_148 : i32
      %jit3A_150 = arith.constant 0.000000e+00 : f32
      %select_n3A_151 = arith.select %eq3A_149, %div3A_124, %jit3A_150 : f32
      %add3A_152 = arith.addf %select_n3A_147, %select_n3A_151 : f32
      %get3A_153 = arith.constant 1 : index
      %get3A_154 = arith.constant 0 : index
      %get3A_155 = arith.constant 0 : index
      %get3A_156 = vector.load %arg4[%get3A_153, %get3A_154, %get3A_155] : memref<8x2048x64xf32, #tpu.memory_space<vmem>>, vector<1x2048x64xf32>
      %get3A_157 = vector.shape_cast %get3A_156 : vector<1x2048x64xf32> to vector<2048x64xf32>
      %mul3A_158 = vector.broadcast %add3A_152 : f32 to vector<2048x64xf32>
      %mul3A_159 = arith.mulf %mul3A_158, %get3A_157 : vector<2048x64xf32>
      %add3A_160 = arith.addf %add3A_143, %mul3A_159 : vector<2048x64xf32>
      %eq3A_161 = arith.constant 2 : i32
      %eq3A_162 = arith.cmpi eq, %select_n3A_62, %eq3A_161 : i32
      %jit3A_163 = arith.constant 0.000000e+00 : f32
      %select_n3A_164 = arith.select %eq3A_162, %div3A_122, %jit3A_163 : f32
      %eq3A_165 = arith.constant 2 : i32
      %eq3A_166 = arith.cmpi eq, %select_n3A_119, %eq3A_165 : i32
      %jit3A_167 = arith.constant 0.000000e+00 : f32
      %select_n3A_168 = arith.select %eq3A_166, %div3A_124, %jit3A_167 : f32
      %add3A_169 = arith.addf %select_n3A_164, %select_n3A_168 : f32
      %get3A_170 = arith.constant 2 : index
      %get3A_171 = arith.constant 0 : index
      %get3A_172 = arith.constant 0 : index
      %get3A_173 = vector.load %arg4[%get3A_170, %get3A_171, %get3A_172] : memref<8x2048x64xf32, #tpu.memory_space<vmem>>, vector<1x2048x64xf32>
      %get3A_174 = vector.shape_cast %get3A_173 : vector<1x2048x64xf32> to vector<2048x64xf32>
      %mul3A_175 = vector.broadcast %add3A_169 : f32 to vector<2048x64xf32>
      %mul3A_176 = arith.mulf %mul3A_175, %get3A_174 : vector<2048x64xf32>
      %add3A_177 = arith.addf %add3A_160, %mul3A_176 : vector<2048x64xf32>
      %eq3A_178 = arith.constant 3 : i32
      %eq3A_179 = arith.cmpi eq, %select_n3A_62, %eq3A_178 : i32
      %jit3A_180 = arith.constant 0.000000e+00 : f32
      %select_n3A_181 = arith.select %eq3A_179, %div3A_122, %jit3A_180 : f32
      %eq3A_182 = arith.constant 3 : i32
      %eq3A_183 = arith.cmpi eq, %select_n3A_119, %eq3A_182 : i32
      %jit3A_184 = arith.constant 0.000000e+00 : f32
      %select_n3A_185 = arith.select %eq3A_183, %div3A_124, %jit3A_184 : f32
      %add3A_186 = arith.addf %select_n3A_181, %select_n3A_185 : f32
      %get3A_187 = arith.constant 3 : index
      %get3A_188 = arith.constant 0 : index
      %get3A_189 = arith.constant 0 : index
      %get3A_190 = vector.load %arg4[%get3A_187, %get3A_188, %get3A_189] : memref<8x2048x64xf32, #tpu.memory_space<vmem>>, vector<1x2048x64xf32>
      %get3A_191 = vector.shape_cast %get3A_190 : vector<1x2048x64xf32> to vector<2048x64xf32>
      %mul3A_192 = vector.broadcast %add3A_186 : f32 to vector<2048x64xf32>
      %mul3A_193 = arith.mulf %mul3A_192, %get3A_191 : vector<2048x64xf32>
      %add3A_194 = arith.addf %add3A_177, %mul3A_193 : vector<2048x64xf32>
      %eq3A_195 = arith.constant 4 : i32
      %eq3A_196 = arith.cmpi eq, %select_n3A_62, %eq3A_195 : i32
      %jit3A_197 = arith.constant 0.000000e+00 : f32
      %select_n3A_198 = arith.select %eq3A_196, %div3A_122, %jit3A_197 : f32
      %eq3A_199 = arith.constant 4 : i32
      %eq3A_200 = arith.cmpi eq, %select_n3A_119, %eq3A_199 : i32
      %jit3A_201 = arith.constant 0.000000e+00 : f32
      %select_n3A_202 = arith.select %eq3A_200, %div3A_124, %jit3A_201 : f32
      %add3A_203 = arith.addf %select_n3A_198, %select_n3A_202 : f32
      %get3A_204 = arith.constant 4 : index
      %get3A_205 = arith.constant 0 : index
      %get3A_206 = arith.constant 0 : index
      %get3A_207 = vector.load %arg4[%get3A_204, %get3A_205, %get3A_206] : memref<8x2048x64xf32, #tpu.memory_space<vmem>>, vector<1x2048x64xf32>
      %get3A_208 = vector.shape_cast %get3A_207 : vector<1x2048x64xf32> to vector<2048x64xf32>
      %mul3A_209 = vector.broadcast %add3A_203 : f32 to vector<2048x64xf32>
      %mul3A_210 = arith.mulf %mul3A_209, %get3A_208 : vector<2048x64xf32>
      %add3A_211 = arith.addf %add3A_194, %mul3A_210 : vector<2048x64xf32>
      %eq3A_212 = arith.constant 5 : i32
      %eq3A_213 = arith.cmpi eq, %select_n3A_62, %eq3A_212 : i32
      %jit3A_214 = arith.constant 0.000000e+00 : f32
      %select_n3A_215 = arith.select %eq3A_213, %div3A_122, %jit3A_214 : f32
      %eq3A_216 = arith.constant 5 : i32
      %eq3A_217 = arith.cmpi eq, %select_n3A_119, %eq3A_216 : i32
      %jit3A_218 = arith.constant 0.000000e+00 : f32
      %select_n3A_219 = arith.select %eq3A_217, %div3A_124, %jit3A_218 : f32
      %add3A_220 = arith.addf %select_n3A_215, %select_n3A_219 : f32
      %get3A_221 = arith.constant 5 : index
      %get3A_222 = arith.constant 0 : index
      %get3A_223 = arith.constant 0 : index
      %get3A_224 = vector.load %arg4[%get3A_221, %get3A_222, %get3A_223] : memref<8x2048x64xf32, #tpu.memory_space<vmem>>, vector<1x2048x64xf32>
      %get3A_225 = vector.shape_cast %get3A_224 : vector<1x2048x64xf32> to vector<2048x64xf32>
      %mul3A_226 = vector.broadcast %add3A_220 : f32 to vector<2048x64xf32>
      %mul3A_227 = arith.mulf %mul3A_226, %get3A_225 : vector<2048x64xf32>
      %add3A_228 = arith.addf %add3A_211, %mul3A_227 : vector<2048x64xf32>
      %eq3A_229 = arith.constant 6 : i32
      %eq3A_230 = arith.cmpi eq, %select_n3A_62, %eq3A_229 : i32
      %jit3A_231 = arith.constant 0.000000e+00 : f32
      %select_n3A_232 = arith.select %eq3A_230, %div3A_122, %jit3A_231 : f32
      %eq3A_233 = arith.constant 6 : i32
      %eq3A_234 = arith.cmpi eq, %select_n3A_119, %eq3A_233 : i32
      %jit3A_235 = arith.constant 0.000000e+00 : f32
      %select_n3A_236 = arith.select %eq3A_234, %div3A_124, %jit3A_235 : f32
      %add3A_237 = arith.addf %select_n3A_232, %select_n3A_236 : f32
      %get3A_238 = arith.constant 6 : index
      %get3A_239 = arith.constant 0 : index
      %get3A_240 = arith.constant 0 : index
      %get3A_241 = vector.load %arg4[%get3A_238, %get3A_239, %get3A_240] : memref<8x2048x64xf32, #tpu.memory_space<vmem>>, vector<1x2048x64xf32>
      %get3A_242 = vector.shape_cast %get3A_241 : vector<1x2048x64xf32> to vector<2048x64xf32>
      %mul3A_243 = vector.broadcast %add3A_237 : f32 to vector<2048x64xf32>
      %mul3A_244 = arith.mulf %mul3A_243, %get3A_242 : vector<2048x64xf32>
      %add3A_245 = arith.addf %add3A_228, %mul3A_244 : vector<2048x64xf32>
      %eq3A_246 = arith.constant 7 : i32
      %eq3A_247 = arith.cmpi eq, %select_n3A_62, %eq3A_246 : i32
      %jit3A_248 = arith.constant 0.000000e+00 : f32
      %select_n3A_249 = arith.select %eq3A_247, %div3A_122, %jit3A_248 : f32
      %eq3A_250 = arith.constant 7 : i32
      %eq3A_251 = arith.cmpi eq, %select_n3A_119, %eq3A_250 : i32
      %jit3A_252 = arith.constant 0.000000e+00 : f32
      %select_n3A_253 = arith.select %eq3A_251, %div3A_124, %jit3A_252 : f32
      %add3A_254 = arith.addf %select_n3A_249, %select_n3A_253 : f32
      %get3A_255 = arith.constant 7 : index
      %get3A_256 = arith.constant 0 : index
      %get3A_257 = arith.constant 0 : index
      %get3A_258 = vector.load %arg4[%get3A_255, %get3A_256, %get3A_257] : memref<8x2048x64xf32, #tpu.memory_space<vmem>>, vector<1x2048x64xf32>
      %get3A_259 = vector.shape_cast %get3A_258 : vector<1x2048x64xf32> to vector<2048x64xf32>
      %mul3A_260 = vector.broadcast %add3A_254 : f32 to vector<2048x64xf32>
      %mul3A_261 = arith.mulf %mul3A_260, %get3A_259 : vector<2048x64xf32>
      %add3A_262 = arith.addf %add3A_245, %mul3A_261 : vector<2048x64xf32>
      %convert_element_type3A_263 = arith.truncf %add3A_262 : vector<2048x64xf32> to vector<2048x64xbf16>
      %swap3A_264 = arith.constant 0 : index
      %swap3A_265 = arith.constant 0 : index
      %swap3A_266 = vector.load %arg6[%swap3A_264, %swap3A_265] : memref<2048x64xbf16, #tpu.memory_space<vmem>>, vector<2048x64xbf16>
      tpu.vector_store %arg6[%swap3A_264, %swap3A_265], %convert_element_type3A_263 {strides = array<i32>} : memref<2048x64xbf16, #tpu.memory_space<vmem>>, vector<2048x64xbf16>,
    } else {
    }
    %get3A = arith.constant 0 : index
    %get3A_2 = arith.constant 0 : index
    %get3A_3 = arith.constant 0 : index
    %get3A_4 = vector.load %arg3[%get3A, %get3A_2, %get3A_3] : memref<1x1024x64xbf16, #tpu.memory_space<vmem>>, vector<1x1024x64xbf16>
    %get3A_5 = vector.shape_cast %get3A_4 : vector<1x1024x64xbf16> to vector<1024x64xbf16>
    %get3A_6 = arith.constant 0 : index
    %get3A_7 = arith.constant 0 : index
    %get3A_8 = vector.load %arg6[%get3A_6, %get3A_7] : memref<2048x64xbf16, #tpu.memory_space<vmem>>, vector<2048x64xbf16>
    %dot_general3A = arith.constant dense<0.000000e+00> : vector<1024x2048xf32>
    %dot_general3A_9 = tpu.matmul %get3A_5, %get3A_8, %dot_general3A {dimension_numbers = #tpu.dot_dimension_numbers<[1], [1], [0], [0], [0, 0, 1, 0], [], []>, transpose_lhs_hint = false} : vector<1024x64xbf16>, vector<2048x64xbf16>, vector<1024x2048xf32> -> vector<1024x2048xf32>
    %swap3A = arith.constant 0 : index
    %swap3A_10 = arith.constant 0 : index
    %swap3A_11 = arith.constant 0 : index
    %swap3A_12 = vector.load %arg5[%swap3A, %swap3A_10, %swap3A_11] : memref<1x1024x2048xf32, #tpu.memory_space<vmem>>, vector<1x1024x2048xf32>
    %swap3A_13 = vector.shape_cast %swap3A_12 : vector<1x1024x2048xf32> to vector<1024x2048xf32>
    %swap3A_14 = vector.shape_cast %dot_general3A_9 : vector<1024x2048xf32> to vector<1x1024x2048xf32>
    tpu.vector_store %arg5[%swap3A, %swap3A_10, %swap3A_11], %swap3A_14 {strides = array<i32>} : memref<1x1024x2048xf32, #tpu.memory_space<vmem>>, vector<1x1024x2048xf32>,
    return
  }
  func.func @transform_0(%arg0: i32, %arg1: i32) -> (i32, i32, i32) {
    %c0_i32 = arith.constant 0 : i32
    %c0_i32_0 = arith.constant 0 : i32
    %c0_i32_1 = arith.constant 0 : i32
    %c0_i32_2 = arith.constant 0 : i32
    return %c0_i32, %c0_i32_0, %c0_i32_1 : i32, i32, i32
  }
  func.func @transform_1(%arg0: i32, %arg1: i32) -> (i32, i32, i32) {
    %c0_i32 = arith.constant 0 : i32
    %c0_i32_0 = arith.constant 0 : i32
    return %arg0, %arg1, %c0_i32 : i32, i32, i32
  }
  func.func @transform_2(%arg0: i32, %arg1: i32) -> (i32, i32, i32) {
    %c0_i32 = arith.constant 0 : i32
    %c0_i32_0 = arith.constant 0 : i32
    %c0_i32_1 = arith.constant 0 : i32
    %c0_i32_2 = arith.constant 0 : i32
    return %c0_i32, %c0_i32_0, %c0_i32_1 : i32, i32, i32
  }
  func.func @transform_3(%arg0: i32, %arg1: i32) -> (i32, i32, i32) {
    %c0_i32 = arith.constant 0 : i32
    %c0_i32_0 = arith.constant 0 : i32
    return %arg0, %arg1, %c0_i32 : i32, i32, i32
  }
}

</mosaic_0001>

<sc_bundles>
// kernel: kernel.5.cloned.1.call-start
scs
__scs_entry_jumppad:
0x0: {  	(pc) =	sbr.rel $0x88, $3  }
0x1: {  	(tag) =	ssettag $0x0;
	lr =	simm.s32 $0x1  }
0x2: {  	[smem:$0x3F9C] =	sst lr;
	_ =	strace $0xD0000000  }
0x3: {  	_ = 	snop  }
0x4: {  	_ = 	snop  }
0x5: {  	_ = 	snop  }
0x6: {  	_ = 	snop  }
0x7: {  	_ = 	snop  }
__scs_overlays_trampoline_lowered:
0x8: {  	[smem:$0x3FAB] =	sst s0  }
0x9: {  	[smem:$0x3FAC] =	sst s1  }
0xa: {  	[smem:$0x3FAD] =	sst s2  }
0xb: {  	[smem:$0x3FAE] =	sst s3  }
0xc: {  	[smem:$0x3FAF] =	sst s4  }
0xd: {  	[smem:$0x3FB0] =	sst s5  }
0xe: {  	[smem:$0x3FB1] =	sst s6  }
0xf: {  	[smem:$0x3FB2] =	sst s7  }
0x10: {  	[smem:$0x3FB3] =	sst s8  }
0x11: {  	[smem:$0x3FB4] =	sst s9;
	s0 =	simm.s32 @!p0 $0x0  }
0x12: {  	s1 =	sld [smem:$0x3F9A];
	s0 =	simm.s32 @p0 $0x1  }
0x13: {  	[smem:$0x3FB5] =	sst s0;
	s0 =	simm.s32 @!p1 $0x0  }
0x14: {  	s2 =	sld [smem:$0x3F99];
	s0 =	simm.s32 @p1 $0x1  }
0x15: {  	[smem:$0x3FB6] =	sst s0;
	s0 =	simm.s32 @!p2 $0x0  }
0x16: {  	s3 =	sld [smem:$0x3FDB];
	s0 =	simm.s32 @p2 $0x1  }
0x17: {  	s4 =	simm.s32 $0x1BF5;
	[smem:$0x3FB8] =	sst s0  }
0x18: {  	s0 =	sld [smem:$0x3F9B];
	_ =	swait.ge [sflag:s4], $0x0  }
0x19: {  	s7 =	sld [smem:$0x3F9C]  }
0x1a: {  	s8 =	sadd.s32 $0xFFFFE003, lr  }
0x1b: {  	s9 =	sadd.s32 $0xFFFFFEF7, lr;
	s5 =	simm.s32 $0xFFFFFFFF;
	p2 =	slt.u32 s8, $0xFFFFF086  }
0x1c: {  	p1 =	slt.u32 s9, $0xF7A;
	s5 =	simm.s32 @!p2 $0x0  }
0x1d: {  	s5 =	simm.s32 @p1 $0x1;
	p0 =	seq.s32 s7, s2  }
0x1e: {  	s7 =	smul.u32 @!p0 $0xF7A, s2;
	p2 =	seq.s32 @!p0 s5, $0x0  }
0x1f: {  	s9 =	smul.u32 $0xF7A, s1;
	s8 =	simm.s32 @!p0 $0x1BF5;
	p2 =	por !p2, p0  }
0x20: {  	[sflag:s8] =	ssyncset.s32 @!p0 $0xFFFFF086;
	s6 =	sadd.s32 @!p0 s3, s7;
	s7 =	simm.s32 @!p0 $0x108  }
0x21: {  	s3 =	sadd.s32 s3, s9;
	s6 =	sadd.s32 @!p0 $0x88, s6;
	s7 =	simm.s32 @p2 $0x1082  }
0x22: {  	[simem:s7], [sflag:s8] =	dma.local @!p0 [hbm:s6], $0xF7A  }
0x23: {  	s9 =	sor.u32 $0xD0000000, s2;
	s6 =	simm.s32 $0x108;
	_ =	swait.ge @!p0 [sflag:s8], $0x0  }
0x24: {  	s3 =	sadd.s32 $0x88, s3;
	s6 =	simm.s32 @!p1 $0x1082;
	[sflag:s4] =	ssyncset.s32 $0xFFFFF086  }
0x25: {  	[simem:s6], [sflag:s4] =	dma.local [hbm:s3], $0xF7A  }
0x26: {  	[smem:$0x3F9C] =	sst s1;
	(tag) =	ssettag s2;
	_ =	strace s9  }
0x27: {  	s1 =	sld [smem:$0x3FAC]  }
0x28: {  	s2 =	sld [smem:$0x3FAD]  }
0x29: {  	s4 =	sld [smem:$0x3FAF]  }
0x2a: {  	p0 =	seq.s32 s5, $0x0;
	s5 =	sld [smem:$0x3FB0]  }
0x2b: {  	s6 =	sld [smem:$0x3FB1]  }
0x2c: {  	s7 =	sld [smem:$0x3FB2]  }
0x2d: {  	s3 =	simm.s32 $0x108;
	s8 =	sld [smem:$0x3FB3]  }
0x2e: {  	s3 =	simm.s32 @!p0 $0x1082;
	s9 =	sld [smem:$0x3FB4]  }
0x2f: {  	lr =	sadd.s32 s0, s3;
	s0 =	sld [smem:$0x3FAB]  }
0x30: {  	s3 =	sld [smem:$0x3FAE]  }
0x31: {  	[smem:$0x3FB7] =	sst s10  }
0x32: {  	s10 =	sld [smem:$0x3FB5];
	_ =	sdelay $0x3  }
0x33: {  	p0 =	seq.s32 s10, $0x1;
	s10 =	sld [smem:$0x3FB7];
	_ =	sdelay $0x3  }
0x34: {  	[smem:$0x3FB7] =	sst s10  }
0x35: {  	s10 =	sld [smem:$0x3FB6];
	_ =	sdelay $0x3  }
0x36: {  	p1 =	seq.s32 s10, $0x1;
	s10 =	sld [smem:$0x3FB7];
	_ =	sdelay $0x3  }
0x37: {  	[smem:$0x3FB7] =	sst s10  }
0x38: {  	s10 =	sld [smem:$0x3FB8]  }
0x39: {  	_ = 	snop;
	(pc) =	sbr.ind lr, $3  }
0x3a: {  	_ = 	snop  }
0x3b: {  	_ = 	snop  }
0x3c: {  	p2 =	seq.s32 s10, $0x1;
	s10 =	sld [smem:$0x3FB7]  }
0x3d: {  	_ =	shalt  }
0x3e: {  	_ =	shalt  }
0x3f: {  	_ =	shalt  }
0x40: {  	_ =	shalt  }
0x41: {  	_ =	shalt  }
0x42: {  	_ =	shalt  }
0x43: {  	_ =	shalt  }
0x44: {  	_ =	shalt  }
0x45: {  	_ =	shalt  }
0x46: {  	_ =	shalt  }
0x47: {  	_ =	shalt  }
0x48: {  	_ =	shalt  }
0x49: {  	_ =	shalt  }
0x4a: {  	_ =	shalt  }
0x4b: {  	_ =	shalt  }
0x4c: {  	_ =	shalt  }
0x4d: {  	_ =	shalt  }
0x4e: {  	_ =	shalt  }
0x4f: {  	_ =	shalt  }
0x50: {  	_ =	shalt  }
0x51: {  	_ =	shalt  }
0x52: {  	_ =	shalt  }
0x53: {  	_ =	shalt  }
0x54: {  	_ =	shalt  }
0x55: {  	_ =	shalt  }
0x56: {  	_ =	shalt  }
0x57: {  	_ =	shalt  }
0x58: {  	_ =	shalt  }
0x59: {  	_ =	shalt  }
0x5a: {  	_ =	shalt  }
0x5b: {  	_ =	shalt  }
0x5c: {  	_ =	shalt  }
0x5d: {  	_ =	shalt  }
0x5e: {  	_ =	shalt  }
0x5f: {  	_ =	shalt  }
0x60: {  	_ =	shalt  }
0x61: {  	_ =	shalt  }
0x62: {  	_ =	shalt  }
0x63: {  	_ =	shalt  }
0x64: {  	_ =	shalt  }
0x65: {  	_ =	shalt  }
0x66: {  	_ =	shalt  }
0x67: {  	_ =	shalt  }
0x68: {  	_ =	shalt  }
0x69: {  	_ =	shalt  }
0x6a: {  	_ =	shalt  }
0x6b: {  	_ =	shalt  }
0x6c: {  	_ =	shalt  }
0x6d: {  	_ =	shalt  }
0x6e: {  	_ =	shalt  }
0x6f: {  	_ =	shalt  }
0x70: {  	_ =	shalt  }
0x71: {  	_ =	shalt  }
0x72: {  	_ =	shalt  }
0x73: {  	_ =	shalt  }
0x74: {  	_ =	shalt  }
0x75: {  	_ =	shalt  }
0x76: {  	_ =	shalt  }
0x77: {  	_ =	shalt  }
0x78: {  	_ =	shalt  }
0x79: {  	_ =	shalt  }
0x7a: {  	_ =	shalt  }
0x7b: {  	_ =	shalt  }
0x7c: {  	_ =	shalt  }
0x7d: {  	_ =	shalt  }
0x7e: {  	_ =	shalt  }
0x7f: {  	_ =	shalt  }
0x80: {  	_ =	shalt  }
0x81: {  	_ =	shalt  }
0x82: {  	_ =	shalt  }
0x83: {  	_ =	shalt  }
0x84: {  	_ =	shalt  }
0x85: {  	_ =	shalt  }
0x86: {  	_ =	shalt  }
0x87: {  	_ =	shalt  }
.Lfunc_end0:
.L_simem_size_0:
called_computation_lowered:
.L_overlay_start_0:
0x88: {  	s2 =	sld [smem:$0x3FD9]  }
0x89: {  	s3 =	sld [smem:$0x3FFE];
	_ =	sdelay $0x1  }
0x8a: {  	s1 =	srdreg.scid  }
0x8b: {  	s0 =	sand.u32 $0x1, s1  }
0x8c: {  	s17 =	sshll.u32 s0, $0xA;
	s2 =	sadd.s32 s3, s2  }
0x8d: {  	s2 =	sadd.s32 s2, s17  }
0x8e: {  	[smem:$0x3FC3] =	sst s2  }
0x8f: {  	_ = 	snop  }
0x90: {  	s2 =	sld [smem:$0x3FC9]  }
0x91: {  	s18 =	sld [smem:$0x3FC6]  }
0x92: {  	s4 =	sld [smem:$0x3FD0];
	(tm) =	ssettm $0x1  }
0x93: {  	s5 =	sld [smem:$0x3FFB];
	_ =	sdelay $0x3  }
0x94: {  	_ =	strace s5  }
0x95: {  	s5 =	sld [smem:$0x3FFC];
	_ =	sdelay $0x3  }
0x96: {  	_ =	strace s5  }
0x97: {  	s5 =	sld [smem:$0x3FFD];
	_ =	sdelay $0x3  }
0x98: {  	_ =	strace s5  }
0x99: {  	_ =	strace $0x8FFFFFFF  }
0x9a: {  	s19 =	sld [smem:$0x3FDB];
	_ =	sdelay $0x1  }
0x9b: {  	s6 =	simm.s32 $_scs_section_size  }
0x9c: {  	s7 =	simm.s32 $_size__tile_overlayer_lowered;
	s8 =	simm.s32 $_tile_overlayer_lowered  }
0x9d: {  	s22 =	simm.s32 $0x1BFF;
	s21 =	sshll.u32 s8, $0x1;
	s5 =	sadd.s32 s6, s19  }
0x9e: {  	s9 =	simm.s32 $0x0;
	s20 =	sshll.u32 s7, $0x1;
	s7 =	sadd.s32 s21, s5  }
0x9f: {  	[timem:s9], [sflag:s22] =	dma.local [hbm:s7], s20  }
0xa0: {  	_ =	swait.ge [sflag:s22], s20  }
0xa1: {  	s6 =	ssub.s32 $0x0, s20;
	[sflag:s22] =	ssyncset.done $0x0  }
0xa2: {  	[sflag:s22] =	ssyncadd.s32 s6;
	_ =	sdelay $0x1  }
0xa3: {  	s23 =	simm.s32 $0x1B8B  }
0xa4: {  	_ =	swait.ge [sflag:s23], $0x1  }
0xa5: {  	[sflag:s23] =	ssyncset.done $0x0  }
0xa6: {  	s25 =	simm.s32 $0x1B8E;
	s24 =	sld [smem:$0x3FFE];
	[sflag:s23] =	ssyncadd.s32 $0xFFFFFFFF  }
0xa7: {  	s26 =	simm.s32 $execute0_lowered;
	[smem:$0x3FD2] =	sst s25  }
0xa8: {  	s7 =	sshll.u32 s26, $0x1;
	_ =	strace $0x80000046;
	[dreg:$0x1] =	wrdreg $0xFFFFFFFF  }
0xa9: {  	s28 =	simm.s32 $_size_execute0_lowered;
	s5 =	sadd.s32 s5, s7;
	[dreg:$0x0] =	wrdreg $0x0  }
0xaa: {  	s7 =	sshll.u32 s28, $0x1;
	[dreg:$0x2] =	wrdreg s5  }
0xab: {  	[dreg:$0x3] =	wrdreg s7  }
0xac: {  	[dreg:$0x4] =	wrdreg $0xC0  }
0xad: {  	_ =	task [dreg:s9], $0x5FFFF  }
0xae: {  	[dreg:$0x1] =	wrdreg $0xFFFFFFFF  }
0xaf: {  	[dreg:$0x0] =	wrdreg $0x60  }
0xb0: {  	[dreg:$0x2] =	wrdreg s2  }
0xb1: {  	[dreg:$0x3] =	wrdreg s24  }
0xb2: {  	[dreg:$0x4] =	wrdreg s18  }
0xb3: {  	[dreg:$0x5] =	wrdreg s4  }
0xb4: {  	[dreg:$0x6] =	wrdreg $0x9  }
0xb5: {  	_ =	task.clear_ibuf [dreg:s9], $0x7FFFF;
	_ =	strace $0x90000046  }
0xb6: {  	s29 =	simm.s32 $0x9;
	_ =	strace $0x80000048  }
0xb7: {  	_ =	swait.ge [sflag:s29], $0x1  }
0xb8: {  	[sflag:s29] =	ssyncadd.s32 $0xFFFFFFFF  }
0xb9: {  	_ =	strace $0x90000048  }
0xba: {  	_ =	sfence  }
0xbb: {  	s30 =	sld [smem:$0x0];
	_ =	sdelay $0x2  }
0xbc: {  	s31 =	sshll.u32 s1, $0xD;
	s1 =	sshrl.u32 s1, $0x2  }
0xbd: {  	s3 =	sand.u32 $0x4000, s31;
	s1 =	sadd.s32 s1, s30  }
0xbe: {  	s0 =	sor.u32 s3, s0;
	s1 =	sshll.u32 s1, $0x11  }
0xbf: {  	s0 =	sor.u32 s1, s0  }
0xc0: {  	s0 =	sadd.s32 $0x8F2B, s0  }
0xc1: {  	[sflag:s0] =	ssyncadd.remote.s32 $0x1  }
0xc2: {  	_ =	sfence.sel $0xFFFF  }
0xc3: {  	[dreg:$0x0] =	wrdreg $0xFFFFFFFF;
	(pc) =	sbr.abs _section_cstart, $3  }
0xc4: {  	[dreg:$0x1] =	wrdreg $0xFFFFFFFF  }
0xc5: {  	_ =	task.clear_ibuf [dreg:s9], $0x2FFFF;
	_ =	strace $0x9FFFFFFF  }
0xc6: {  	(tm) =	ssettm $0x7FFFFFFF  }
0xc7: {  	_ =	shalt  }
tec
execute0_lowered:
.L_overlay_start_1:
0x0: {  	(tag) =	ssettag $0x1  }
0x1: {  	s1 =	rddreg [dreg:$0x0]  }
0x2: {  	s0 =	rddreg [dreg:$0x1]  }
0x3: {  	s3 =	rddreg [dreg:$0x2]  }
0x4: {  	s11 =	rddreg [dreg:$0x3];
	s2 =	simm.s32 $0x0  }
0x5: {  	s4 =	srdreg.scid;
	s8 =	stileid.u32;
	v0 =	vimm.s32 $0xFEDCBA98;
	v1 =	vimm.s32 $0x76543210;
	s15 =	simm.s32 $0x80  }
0x6: {  	v3 =	vimm.s32 $0xBA98FEDC;
	v5 =	vimm.s32 $0x32107654;
	s20 =	simm.s32 $0x3;
	s28 =	simm.s32 $0x4880;
	s29 =	simm.s32 $0x5080  }
0x7: {  	v6 =	vimm.s32 $0x54761032;
	s30 =	simm.s32 $0x5880;
	s31 =	simm.s32 $0x6080;
	s16 =	simm.s32 $0x7880  }
0x8: {  	v7 =	vimm.s32 $0xEFCDAB89;
	v8 =	vimm.s32 $0x67452301;
	s17 =	simm.s32 $0x1;
	s18 =	simm.s32 $0x2;
	s19 =	simm.s32 $0x8880;
	v2 =	vunpack.c.l.s4.s8 v0  }
0x9: {  	v9 =	vlaneseq.u32;
	vm0 =	vmmov $0xffff;
	s21 =	simm.s32 $0x0;
	[smem:$0x7FF] =	sst s2;
	s5 =	sand.u32 $0x1, s4;
	v1 =	vunpack.c.l.s4.s8 v1  }
0xa: {  	s4 =	sadd.s32 $0xA00, s0;
	s7 =	sshrl.u32 s8, $0x3;
	s8 =	sshll.u32 s8, $0x4;
	v3 =	vunpack.c.l.s4.s8 v3;
	v5 =	vunpack.c.l.s4.s8 v5;
	v2 =	vunpack.c.0.s8.s32 v2  }
0xb: {  	s9 =	sadd.s32 $0x400, s1;
	s10 =	sadd.s32 $0x500, s1;
	v6 =	vunpack.c.l.s4.s8 v6;
	v7 =	vunpack.c.l.s4.s8 v7;
	_ =	strace $0x80000047;
	v4 =	vunpack.c.0.s8.s32 v1  }
0xc: {  	v8 =	vunpack.c.l.s4.s8 v8;
	s6 =	ssub.s32 $0x2, s5;
	s5 =	sshll.u32 s5, $0x1;
	s13 =	sand.u32 $0x70, s8;
	v3 =	vunpack.c.0.s8.s32 v3;
	v2 =	vand.u32 $0xF, v2  }
0xd: {  	s8 =	sadd.s32 $0x300, s1;
	s25 =	sshrl.u32 s6, $0x1;
	s12 =	sor.u32 s7, s5;
	v5 =	vunpack.c.0.s8.s32 v5;
	v2 =	vcombine.low v2, v4;
	v4 =	vimm.s32 $0xDCFE98BA  }
0xe: {  	s5 =	sadd.s32 s3, s13;
	s7 =	sadd.s32 $0x200, s1;
	s13 =	sadd.s32 s11, s13;
	v10 =	vunpack.c.0.s8.s32 v7;
	v0 =	vmov s12;
	v4 =	vunpack.c.l.s4.s8 v4  }
0xf: {  	s11 =	sadd.s32 $0x600, s1;
	v8 =	vunpack.c.0.s8.s32 v8;
	s3 =	simm.s32 $0x7080;
	v7 =	vor.u32 $0x8, v9;
	s0 =	ssub.s32 s6, s25;
	v0 =	vbroadcast v0, $0x0  }
0x10: {  	s26 =	sshll.u32 s12, $0xB;
	s6 =	sadd.s32 $0x100, s1;
	s14 =	sshll.u32 s12, $0x7;
	v3 =	vcombine.low v5, v3;
	v5 =	vunpack.c.0.s8.s32 v6;
	v4 =	vunpack.c.0.s8.s32 v4  }
0x11: {  	s12 =	sadd.s32 $0x700, s1;
	s25 =	simm.s32 $0x3880;
	v1 =	vmov s26;
	s13 =	sadd.s32 s14, s13;
	v6 =	vshrl.u32 v9, $0x3;
	v8 =	vcombine.low v8, v10  }
0x12: {  	s14 =	smax.u32 s0, $0x1;
	s26 =	simm.s32 $0x4080;
	s0 =	simm.s32 $0x6880;
	v6 =	vmul.u32 $0x8, v6;
	v4 =	vcombine.low v5, v4;
	v5 =	vand.u32 $0x7, v9  }
.LBB2_1:
0x13: {  	s22 =	simm.s32 $0x400;
	s23 =	simm.s32 $0x8080  }
0x14: {  	[tilespmem:s23], [sflag:$0x1] =	stream.strided.gather [hbm4b:s5+s15], $0x800, s22, s15, $0x38;
	[tilespmem:$0x8900] =	vst v63  }
0x15: {  	_ = 	snop  }
0x16: {  	[tilespmem:s2], [sflag:$0x3] =	stream.linear.gather [hbm4b:s4+s2], $0x80, $0x38;
	[tilespmem:$0x8900] =	vst v63  }
0x17: {  	_ =	swait.ge [sflag:s20], $0x80  }
0x18: {  	[sflag:s20] =	ssyncset.done $0x0  }
0x19: {  	[sflag:s20] =	ssyncadd.s32 $0xFFFFFF80  }
0x1a: {  	v9 =	vld [tilespmem:$0x0];
	_ =	sdelay $0x4  }
0x1b: {  	v9 =	vperm.xlane v9, v0;
	_ =	sdelay $0x1  }
0x1c: {  	v10 =	vadd.s32 v1, v9  }
0x1d: {  	v10 =	vshll.u32 v10, $0x4  }
0x1e: {  	v9 =	vand.u32 $0x7, v9;
	v10 =	vand.u32 $0xFFFFFF80, v10  }
0x1f: {  	v9 =	vor.u32 v9, v10  }
0x20: {  	v10 =	vperm.xlane v9, v5;
	_ =	sdelay $0x1  }
0x21: {  	v10 =	vadd.s32 v6, v10;
	_ =	sdelay $0x4  }
0x22: {  	[tilespmem:s15], [sflag:$0x2] =	stream.indirect_vreg.gather [hbm4b:s1+s2], $0x80, v10, vm0, $0xb8;
	[tilespmem:$0x8900] =	vst v63  }
0x23: {  	s24 =	simm.s32 $0x880  }
0x24: {  	[tilespmem:s24], [sflag:$0x2] =	stream.indirect_vreg.gather [hbm4b:s6+s2], $0x80, v10, vm0, $0xb8;
	[tilespmem:$0x8900] =	vst v63  }
0x25: {  	s23 =	simm.s32 $0x1080  }
0x26: {  	[tilespmem:s23], [sflag:$0x2] =	stream.indirect_vreg.gather [hbm4b:s7+s2], $0x80, v10, vm0, $0xb8;
	[tilespmem:$0x8900] =	vst v63  }
0x27: {  	s24 =	simm.s32 $0x1880  }
0x28: {  	[tilespmem:s24], [sflag:$0x2] =	stream.indirect_vreg.gather [hbm4b:s8+s2], $0x80, v10, vm0, $0xb8;
	[tilespmem:$0x8900] =	vst v63  }
0x29: {  	s23 =	simm.s32 $0x2080  }
0x2a: {  	[tilespmem:s23], [sflag:$0x2] =	stream.indirect_vreg.gather [hbm4b:s9+s2], $0x80, v10, vm0, $0xb8;
	[tilespmem:$0x8900] =	vst v63  }
0x2b: {  	v9 =	vperm.xlane v9, v7;
	s24 =	simm.s32 $0x2880  }
0x2c: {  	[tilespmem:s24], [sflag:$0x2] =	stream.indirect_vreg.gather [hbm4b:s10+s2], $0x80, v10, vm0, $0xb8;
	[tilespmem:$0x8900] =	vst v63  }
0x2d: {  	v9 =	vadd.s32 v6, v9;
	s23 =	simm.s32 $0x3080  }
0x2e: {  	[tilespmem:s23], [sflag:$0x2] =	stream.indirect_vreg.gather [hbm4b:s11+s2], $0x80, v10, vm0, $0xb8;
	[tilespmem:$0x8900] =	vst v63  }
0x2f: {  	_ = 	snop  }
0x30: {  	[tilespmem:s25], [sflag:$0x2] =	stream.indirect_vreg.gather [hbm4b:s12+s2], $0x80, v10, vm0, $0xb8;
	[tilespmem:$0x8900] =	vst v63  }
0x31: {  	_ = 	snop  }
0x32: {  	[tilespmem:s26], [sflag:$0x2] =	stream.indirect_vreg.gather [hbm4b:s1+s2], $0x80, v9, vm0, $0xb8;
	[tilespmem:$0x8900] =	vst v63  }
0x33: {  	_ = 	snop  }
0x34: {  	[tilespmem:s28], [sflag:$0x2] =	stream.indirect_vreg.gather [hbm4b:s6+s2], $0x80, v9, vm0, $0xb8;
	[tilespmem:$0x8900] =	vst v63  }
0x35: {  	_ = 	snop  }
0x36: {  	[tilespmem:s29], [sflag:$0x2] =	stream.indirect_vreg.gather [hbm4b:s7+s2], $0x80, v9, vm0, $0xb8;
	[tilespmem:$0x8900] =	vst v63  }
0x37: {  	_ = 	snop  }
0x38: {  	[tilespmem:s30], [sflag:$0x2] =	stream.indirect_vreg.gather [hbm4b:s8+s2], $0x80, v9, vm0, $0xb8;
	[tilespmem:$0x8900] =	vst v63  }
0x39: {  	_ = 	snop  }
0x3a: {  	[tilespmem:s31], [sflag:$0x2] =	stream.indirect_vreg.gather [hbm4b:s9+s2], $0x80, v9, vm0, $0xb8;
	[tilespmem:$0x8900] =	vst v63  }
0x3b: {  	_ = 	snop  }
0x3c: {  	[tilespmem:s0], [sflag:$0x2] =	stream.indirect_vreg.gather [hbm4b:s10+s2], $0x80, v9, vm0, $0xb8;
	[tilespmem:$0x8900] =	vst v63  }
0x3d: {  	_ = 	snop  }
0x3e: {  	[tilespmem:s3], [sflag:$0x2] =	stream.indirect_vreg.gather [hbm4b:s11+s2], $0x80, v9, vm0, $0xb8;
	[tilespmem:$0x8900] =	vst v63  }
0x3f: {  	_ = 	snop  }
0x40: {  	[tilespmem:s16], [sflag:$0x2] =	stream.indirect_vreg.gather [hbm4b:s12+s2], $0x80, v9, vm0, $0xb8;
	[tilespmem:$0x8900] =	vst v63  }
0x41: {  	_ =	swait.ge [sflag:s17], $0x800  }
0x42: {  	[sflag:s17] =	ssyncset.done $0x0  }
0x43: {  	[sflag:s17] =	ssyncadd.s32 $0xFFFFF800  }
0x44: {  	_ =	swait.ge [sflag:s18], $0x8000  }
0x45: {  	[sflag:s18] =	ssyncset.done $0x0  }
0x46: {  	s24 =	simm.s32 $0xC0;
	[sflag:s18] =	ssyncadd.s32 $0xFFFF8000  }
0x47: {  	s22 =	simm.s32 $0x80C0;
	v9 =	vld [tilespmem:s24+$0xFFFFFFC0]  }
0x48: {  	v10 =	vld [tilespmem:s22+$0xFFFFFFC0]  }
0x49: {  	v11 =	vld [tilespmem:s24+$0xFFFFFFD0]  }
0x4a: {  	v12 =	vld [tilespmem:s22+$0xFFFFFFD0]  }
0x4b: {  	v13 =	vld [tilespmem:s24+$0xFFFFFFE0]  }
0x4c: {  	v14 =	vld [tilespmem:s22+$0xFFFFFFE0]  }
0x4d: {  	v15 =	vld [tilespmem:s24+$0xFFFFFFF0];
	v9 =	vmul.f32 v10, v9  }
0x4e: {  	v16 =	vld [tilespmem:s22+$0xFFFFFFF0];
	v10 =	vimm.f32 $0.0e+00  }
0x4f: {  	v17 =	vld [tilespmem:s24+$0x0];
	v11 =	vmul.f32 v12, v11;
	v9 =	vadd.f32 v9, v10  }
0x50: {  	v18 =	vld [tilespmem:s22+$0x0]  }
0x51: {  	v12 =	vmul.f32 v14, v13;
	v13 =	vld [tilespmem:s22+$0x10];
	v11 =	vadd.f32 v11, v9  }
0x52: {  	v10 =	vld [tilespmem:s24+$0x10]  }
0x53: {  	v15 =	vmul.f32 v16, v15;
	v9 =	vld [tilespmem:s24+$0x20];
	v14 =	vadd.f32 v12, v11  }
0x54: {  	v12 =	vld [tilespmem:s22+$0x20]  }
0x55: {  	v16 =	vmul.f32 v18, v17;
	v11 =	vld [tilespmem:s24+$0x30];
	v15 =	vadd.f32 v15, v14  }
0x56: {  	s23 =	simm.s32 $0x0;
	s24 =	simm.s32 $0x4C0;
	v14 =	vld [tilespmem:s22+$0x30]  }
.LBB2_2:
0x57: {  	v17 =	vld [tilespmem:s24+$0xFFFFFFC0];
	v15 =	vadd.f32 v16, v15;
	v10 =	vmul.f32 v13, v10;
	s22 =	sadd.s32 $0x80, s22  }
0x58: {  	s23 =	sadd.s32 $0x8, s23;
	v13 =	vld [tilespmem:s22+$0xFFFFFFC0]  }
0x59: {  	p0 =	slt.u32 s23, $0x78;
	v16 =	vld [tilespmem:s24+$0xFFFFFFD0];
	v10 =	vadd.f32 v10, v15;
	v9 =	vmul.f32 v12, v9  }
0x5a: {  	v12 =	vld [tilespmem:s22+$0xFFFFFFD0]  }
0x5b: {  	v15 =	vld [tilespmem:s24+$0xFFFFFFE0];
	v9 =	vadd.f32 v9, v10;
	v10 =	vmul.f32 v14, v11  }
0x5c: {  	v11 =	vld [tilespmem:s22+$0xFFFFFFE0]  }
0x5d: {  	v13 =	vmul.f32 v13, v17;
	v14 =	vld [tilespmem:s24+$0xFFFFFFF0];
	v9 =	vadd.f32 v10, v9  }
0x5e: {  	v17 =	vld [tilespmem:s22+$0xFFFFFFF0]  }
0x5f: {  	v9 =	vadd.f32 v13, v9;
	v10 =	vmul.f32 v12, v16;
	v16 =	vld [tilespmem:s24+$0x0]  }
0x60: {  	v18 =	vld [tilespmem:s22+$0x0]  }
0x61: {  	v9 =	vadd.f32 v10, v9;
	v11 =	vmul.f32 v11, v15;
	v10 =	vld [tilespmem:s24+$0x10]  }
.Ltmp0:
0x62: {  	v13 =	vld [tilespmem:s22+$0x10];
	(pc) =	sbr.rel @p0 .LBB2_2-.Ltmp0, $4  }
0x63: {  	v11 =	vadd.f32 v11, v9;
	v14 =	vmul.f32 v17, v14;
	v9 =	vld [tilespmem:s24+$0x20]  }
0x64: {  	v12 =	vld [tilespmem:s22+$0x20]  }
0x65: {  	v15 =	vadd.f32 v14, v11;
	v16 =	vmul.f32 v18, v16;
	v11 =	vld [tilespmem:s24+$0x30]  }
0x66: {  	s24 =	sadd.s32 $0x400, s24;
	v14 =	vld [tilespmem:s22+$0x30]  }
0x67: {  	v15 =	vadd.f32 v16, v15;
	v10 =	vmul.f32 v13, v10;
	_ =	sdelay $0x1  }
0x68: {  	v10 =	vadd.f32 v10, v15;
	v9 =	vmul.f32 v12, v9;
	_ =	sdelay $0x1  }
0x69: {  	v9 =	vadd.f32 v9, v10;
	v10 =	vmul.f32 v14, v11;
	_ =	sdelay $0x1  }
0x6a: {  	v9 =	vadd.f32 v10, v9;
	_ =	sdelay $0x1  }
0x6b: {  	v10 =	vperm.xlane v9, v2;
	_ =	sdelay $0x1  }
0x6c: {  	v9 =	vadd.f32 v10, v9;
	_ =	sdelay $0x1  }
0x6d: {  	v10 =	vperm.xlane v9, v3;
	_ =	sdelay $0x1  }
0x6e: {  	v9 =	vadd.f32 v10, v9;
	_ =	sdelay $0x1  }
0x6f: {  	v10 =	vperm.xlane v9, v4;
	_ =	sdelay $0x1  }
0x70: {  	v9 =	vadd.f32 v10, v9;
	_ =	sdelay $0x1  }
0x71: {  	v10 =	vperm.xlane v9, v8;
	_ =	sdelay $0x1  }
0x72: {  	v9 =	vadd.f32 v10, v9;
	_ =	sdelay $0x1  }
0x73: {  	s21 =	sadd.s32 $0x1, s21;
	v9 =	vbroadcast v9, $0x0  }
0x74: {  	p0 =	sne.s32 s21, s14  }
.Ltmp1:
0x75: {  	[tilespmem:$0x8880] =	vst v9;
	(pc) =	sbr.rel @p0 .LBB2_1-.Ltmp1, $4  }
0x76: {  	[hbm4b:s13+s2] =	stream.linear.scatter [tilespmem:s19], [sflag:$0x3], $0x80, $0x38;
	[tilespmem:$0x8900] =	vst v63  }
0x77: {  	_ =	swait.ge [sflag:s20], $0x80  }
0x78: {  	[sflag:s20] =	ssyncset.done $0x0  }
0x79: {  	[sflag:s20] =	ssyncadd.s32 $0xFFFFFF80  }
0x7a: {  	_ =	sfence.sel $0x180000  }
0x7b: {  	[bflag:$0x0] =	sbarrier.arrive $0xFFFF  }
0x7c: {  	_ =	strace $0x90000047  }
0x7d: {  	s0 =	stileid.u32;
	[bflag:$0x2] =	sbarrier.arrive $0xFFFF  }
0x7e: {  	p0 =	sne.s32 s0, $0x0;
	s0 =	rddreg [dreg:$0x4]  }
0x7f: {  	s0 =	sadd.s32 @!p0 $0x100000, s0  }
0x80: {  	[sflag:s0] =	ssyncadd.tile.s32 @!p0 $0x1;
	_ =	shalt  }
.Lfunc_end2:
_tile_overlayer_lowered:
.L_overlay_start_2:
0x81: {  	(tag) =	ssettag $0x2  }
0x82: {  	s0 =	rddreg [dreg:$0x0];
	s2 =	stileid.u32  }
0x83: {  	s1 =	rddreg [dreg:$0x1];
	p0 =	sne.s32 s2, $0x0  }
0x84: {  	s3 =	rddreg [dreg:$0x2];
	[bflag:$0x3] =	sbarrier.arrive $0xFFFF;
	s2 =	simm.s32 @!p0 $0x1C03  }
0x85: {  	[timem:s3], [sflag:s2] =	dma.local @!p0 [hbm:s0], s1  }
0x86: {  	s0 =	simm.s32 @!p0 $0x3  }
0x87: {  	_ =	swait.ge @!p0 [sflag:s0], s1  }
0x88: {  	s1 =	ssub.s32 @!p0 $0x0, s1;
	[sflag:s0] =	ssyncset.done @!p0 $0x0  }
0x89: {  	[sflag:s0] =	ssyncadd.s32 @!p0 s1  }
0x8a: {  	[bflag:$0x3] =	sbarrier.arrive $0xFFFF  }
0x8b: {  	_ =	shalt  }

</sc_bundles>
